<compile_context>
chip_gen: v7x
topology: tpu7x:2x2x1
jax: 0.10.2.dev20260603
libtpu: 0.0.44.dev20260713+nightly
codegen_flags: <defaults>
</compile_context>

<pallas_src>
import functools

import jax
import jax.numpy as jnp
from jax import lax
from jax.experimental import pallas as pl
from jax.experimental.pallas import tpu as pltpu
from jax.experimental.pallas import tpu_sc as plsc

N = 10000
E = 320000
D = 128
EPS = 1e-5

NC = 2
NS = 16
NW = NC * NS
CHUNK = 100
E_PER_TILE = E // NW
NCHUNK = -(-E_PER_TILE // CHUNK)
EDGE_PAD = NCHUNK * CHUNK - E_PER_TILE
ROWS_PER_TILE = 640
N_PAD = 10240

BLK = 10240
GRID = N_PAD // BLK


def _sc_deg_body(er_hbm, ones_hbm, zcol_hbm, deg_out, dst_v, ones_v, deg_sh,
                 ssem):
    c = lax.axis_index("c")
    s = lax.axis_index("s")
    wid = c * NS + s
    pltpu.sync_copy(er_hbm.at[1, wid], dst_v)
    pltpu.sync_copy(ones_hbm, ones_v)
    pltpu.sync_copy(zcol_hbm, deg_sh.at[pl.ds(s * ROWS_PER_TILE, ROWS_PER_TILE)])
    plsc.subcore_barrier()

    pltpu.async_copy(ones_v, deg_sh.at[dst_v.at[0]], ssem.at[0], add=True)

    def step(j, carry):
        @pl.when(j + 1 < NCHUNK)
        def _():
            pltpu.async_copy(ones_v, deg_sh.at[dst_v.at[j + 1]],
                             ssem.at[_even(j + 1)], add=True)

        pltpu.make_async_copy(ones_v, deg_sh.at[dst_v.at[j]],
                              ssem.at[_even(j)]).wait()
        return carry

    lax.fori_loop(0, NCHUNK, step, 0)
    plsc.subcore_barrier()
    sl = pl.ds(s * ROWS_PER_TILE, ROWS_PER_TILE)
    pltpu.sync_copy(deg_sh.at[sl], deg_out.at[c, sl])


def _even(j):
    return lax.rem(j, 2)


def _mod3(j):
    return lax.rem(j, 3)


def _sc_deg(er, ones, zcol):
    mesh = plsc.VectorSubcoreMesh(
        core_axis_name="c", subcore_axis_name="s", num_cores=NC, num_subcores=NS
    )
    f = pl.kernel(
        _sc_deg_body,
        out_type=jax.ShapeDtypeStruct((NC, N_PAD), jnp.float32),
        mesh=mesh,
        scratch_types=[
            pltpu.VMEM((NCHUNK, CHUNK), jnp.int32),
            pltpu.VMEM((CHUNK,), jnp.float32),
            pltpu.VMEM_SHARED((N_PAD,), jnp.float32),
            pltpu.SemaphoreType.DMA((2,)),
        ],
    )
    return f(er, ones, zcol)


def _mod4(j):
    return lax.rem(j, 4)


def _sc_scat_body(y_hbm, er_hbm, zeros_hbm, out_hbm,
                  srcbuf, dstbuf, rows_v, acc_sh, srcsem, dstsem, gsem, ssem):
    c = lax.axis_index("c")
    s = lax.axis_index("s")
    wid = c * NS + s

    def fetch(j, islot):
        pltpu.async_copy(er_hbm.at[0, wid, j], srcbuf.at[islot],
                         srcsem.at[islot])
        pltpu.async_copy(er_hbm.at[1, wid, j], dstbuf.at[islot],
                         dstsem.at[islot])

    def gather(j, islot, rslot):
        pltpu.make_async_copy(er_hbm.at[0, wid, j], srcbuf.at[islot],
                              srcsem.at[islot]).wait()
        pltpu.async_copy(y_hbm.at[srcbuf.at[islot]], rows_v.at[rslot],
                         gsem.at[rslot])

    pltpu.async_copy(zeros_hbm,
                     acc_sh.at[pl.ds(s * ROWS_PER_TILE, ROWS_PER_TILE)],
                     ssem.at[2])
    fetch(0, 0)
    fetch(1, 1)
    gather(0, 0, 0)
    pltpu.make_async_copy(zeros_hbm,
                          acc_sh.at[pl.ds(s * ROWS_PER_TILE, ROWS_PER_TILE)],
                          ssem.at[2]).wait()
    plsc.subcore_barrier()

    def step(j, carry):
        @pl.when(j >= 2)
        def _():
            pslot = _mod3(j - 2)
            pltpu.make_async_copy(rows_v.at[pslot],
                                  acc_sh.at[dstbuf.at[_mod4(j - 2)]],
                                  ssem.at[pslot]).wait()

        @pl.when(j + 2 < NCHUNK)
        def _():
            fetch(j + 2, _mod4(j + 2))

        @pl.when(j + 1 < NCHUNK)
        def _():
            gather(j + 1, _mod4(j + 1), _mod3(j + 1))

        rslot = _mod3(j)
        islot = _mod4(j)
        pltpu.make_async_copy(y_hbm.at[srcbuf.at[islot]], rows_v.at[rslot],
                              gsem.at[rslot]).wait()
        pltpu.make_async_copy(er_hbm.at[1, wid, j], dstbuf.at[islot],
                              dstsem.at[islot]).wait()
        pltpu.async_copy(rows_v.at[rslot], acc_sh.at[dstbuf.at[islot]],
                         ssem.at[rslot], add=True)
        return carry

    lax.fori_loop(0, NCHUNK, step, 0)
    for j in (NCHUNK - 2, NCHUNK - 1):
        pltpu.make_async_copy(rows_v.at[j % 3],
                              acc_sh.at[dstbuf.at[j % 4]],
                              ssem.at[j % 3]).wait()
    plsc.subcore_barrier()
    sl = pl.ds(s * ROWS_PER_TILE, ROWS_PER_TILE)
    pltpu.sync_copy(acc_sh.at[sl], out_hbm.at[c, sl])


def _sc_scatter(y, er, zeros):
    mesh = plsc.VectorSubcoreMesh(
        core_axis_name="c", subcore_axis_name="s", num_cores=NC, num_subcores=NS
    )
    f = pl.kernel(
        _sc_scat_body,
        out_type=jax.ShapeDtypeStruct((NC, N_PAD, D), jnp.float32),
        mesh=mesh,
        scratch_types=[
            pltpu.VMEM((4, CHUNK), jnp.int32),
            pltpu.VMEM((4, CHUNK), jnp.int32),
            pltpu.VMEM((3, CHUNK, D), jnp.float32),
            pltpu.VMEM_SHARED((N_PAD, D), jnp.float32),
            pltpu.SemaphoreType.DMA((4,)),
            pltpu.SemaphoreType.DMA((4,)),
            pltpu.SemaphoreType.DMA((3,)),
            pltpu.SemaphoreType.DMA((3,)),
        ],
    )
    return f(y, er, zeros)


def _tc_prep_body(x_ref, w_ref, deg_ref, y_ref):
    xw = jnp.dot(x_ref[...], w_ref[...], preferred_element_type=jnp.float32)
    deg = deg_ref[0, :] + deg_ref[1, :] + 1.0
    dinv = lax.rsqrt(deg)
    y_ref[...] = xw * dinv[:, None]


def _tc_prep(x, W, deg_part):
    return pl.pallas_call(
        _tc_prep_body,
        grid=(GRID,),
        in_specs=[
            pl.BlockSpec((BLK, D), lambda i: (i, 0)),
            pl.BlockSpec((D, D), lambda i: (0, 0)),
            pl.BlockSpec((NC, BLK), lambda i: (0, i)),
        ],
        out_specs=pl.BlockSpec((BLK, D), lambda i: (i, 0)),
        out_shape=jax.ShapeDtypeStruct((N, D), jnp.float32),
    )(x, W, deg_part)


def _p1(i):
    return jnp.minimum(i, GRID - 1)


def _p2(i):
    return jnp.maximum(i - GRID, 0)
def _tc_fin_body(acc_ref, y_ref, deg_ref, b_ref, x_ref, w_ref, bias_ref,
                 ms_ref, o_ref, h_sc, s1, s2):
    i = pl.program_id(0)
    ip = lax.rem(i, GRID)

    @pl.when(i == 0)
    def _():
        s1[...] = jnp.zeros_like(s1)
        s2[...] = jnp.zeros_like(s2)

    @pl.when(i < GRID)
    def _():
        deg = deg_ref[0, :] + deg_ref[1, :] + 1.0
        dinv = lax.rsqrt(deg)
        h = dinv[:, None] * (acc_ref[0] + acc_ref[1] + y_ref[...]) + b_ref[...]
        row = ip * BLK + lax.broadcasted_iota(jnp.int32, (BLK, D), 0)
        hm = jnp.where(row < N, h, 0.0)
        h_sc[ip] = h
        s1[...] += jnp.sum(hm, axis=0, keepdims=True)
        s2[...] += jnp.sum(hm * hm, axis=0, keepdims=True)

    @pl.when(i >= GRID)
    def _():
        m = s1[0, :] * (1.0 / N)
        q = s2[0, :] * (1.0 / N)
        ms = ms_ref[0, :]
        mm = m * ms
        var = q - 2.0 * mm * m + mm * mm
        scale = w_ref[0, :] * lax.rsqrt(var + EPS)
        h = h_sc[ip]
        o = (h - mm[None, :]) * scale[None, :] + bias_ref[0, :][None, :]
        o_ref[...] = jnp.maximum(o, 0.0) + x_ref[...]


def _tc_finish(acc_part, y, deg_part, b2, x, gw2, gb2, gms2):
    return pl.pallas_call(
        _tc_fin_body,
        grid=(2 * GRID,),
        in_specs=[
            pl.BlockSpec((NC, BLK, D), lambda i: (0, _p1(i), 0)),
            pl.BlockSpec((BLK, D), lambda i: (_p1(i), 0)),
            pl.BlockSpec((NC, BLK), lambda i: (0, _p1(i))),
            pl.BlockSpec((1, D), lambda i: (0, 0)),
            pl.BlockSpec((BLK, D), lambda i: (_p2(i), 0)),
            pl.BlockSpec((1, D), lambda i: (0, 0)),
            pl.BlockSpec((1, D), lambda i: (0, 0)),
            pl.BlockSpec((1, D), lambda i: (0, 0)),
        ],
        out_specs=pl.BlockSpec((BLK, D), lambda i: (_p2(i), 0)),
        out_shape=jax.ShapeDtypeStruct((N, D), jnp.float32),
        scratch_shapes=[
            pltpu.VMEM((GRID, BLK, D), jnp.float32),
            pltpu.VMEM((1, D), jnp.float32),
            pltpu.VMEM((1, D), jnp.float32),
        ],
    )(acc_part, y, deg_part, b2, x, gw2, gb2, gms2)


def kernel(x, edge_index, W, b, gn_weight, gn_bias, gn_mean_scale):
    er = edge_index.reshape(2, NW, NCHUNK, CHUNK)

    ones = jnp.ones((CHUNK,), jnp.float32)
    zcol = jnp.zeros((ROWS_PER_TILE,), jnp.float32)
    zeros = jnp.zeros((ROWS_PER_TILE, D), jnp.float32)

    deg_part = _sc_deg(er, ones, zcol)
    y = _tc_prep(x, W, deg_part)
    acc_part = _sc_scatter(y, er, zeros)
    return _tc_finish(acc_part, y, deg_part, b.reshape(1, D), x,
                      gn_weight.reshape(1, D), gn_bias.reshape(1, D),
                      gn_mean_scale.reshape(1, D))

# --- scband reference (transcript-rebuilt; emitter-appended) ---
"""Pipeline reference for scband-res-gcnblock-38603166057035 (READ-ONLY COPY).

The authoritative reference and input builder live on the scoring server;
editing this copy changes nothing except your own understanding.
"""

import jax, jax.numpy as jnp
import numpy as np

N = 10000
E = 320000
D = 128
EPS = 1e-5


def setup_inputs(seed: int = 0):
    key = jax.random.key(seed)
    k1, k2, k3 = jax.random.split(key, 3)
    x = jax.random.normal(k1, (N, D), dtype=jnp.float32)
    edge_index = jax.random.randint(k2, (2, E), 0, N, dtype=jnp.int32)
    W = jax.random.normal(k3, (D, D), dtype=jnp.float32) * (1.0 / np.sqrt(D))
    b = jnp.zeros((D,), dtype=jnp.float32)
    gn_weight = jnp.ones((D,), dtype=jnp.float32)
    gn_bias = jnp.zeros((D,), dtype=jnp.float32)
    gn_mean_scale = jnp.ones((D,), dtype=jnp.float32)
    return {"x": x, "edge_index": edge_index, "W": W, "b": b,
            "gn_weight": gn_weight, "gn_bias": gn_bias, "gn_mean_scale": gn_mean_scale}


def _gcn_conv(x, edge_index, W, b):
    # PyG GCNConv: symmetric normalization with self-loops
    loop = jnp.arange(N, dtype=edge_index.dtype)
    src = jnp.concatenate([edge_index[0], loop])
    dst = jnp.concatenate([edge_index[1], loop])
    xw = x @ W
    deg = jnp.zeros((N,), dtype=xw.dtype).at[dst].add(1.0)
    dinv = jnp.where(deg > 0, jax.lax.rsqrt(deg), 0.0)
    norm = dinv[src] * dinv[dst]
    msg = xw[src] * norm[:, None]
    out = jnp.zeros_like(xw).at[dst].add(msg)
    return out + b


def _graph_norm(x, weight, bias, mean_scale):
    # PyG GraphNorm, single graph: mean over nodes
    mean = jnp.mean(x, axis=0, keepdims=True)
    out = x - mean * mean_scale
    var = jnp.mean(out * out, axis=0, keepdims=True)
    return out / jnp.sqrt(var + EPS) * weight + bias


def reference(x, edge_index, W, b, gn_weight, gn_bias, gn_mean_scale):
    identity = x  # in_channels == out_channels -> nn.Identity
    h = _gcn_conv(x, edge_index, W, b)
    h = _graph_norm(h, gn_weight, gn_bias, gn_mean_scale)
    h = jax.nn.relu(h)
    # dropout is identity in eval mode
    return h + identity

if __name__ == "__main__":
    import jax
    _d = setup_inputs()
    print(jax.jit(kernel)(*tuple(_d.values())))

</pallas_src>

<mosaic_0001>
#map = affine_map<(d0, d1) -> (0, 0)>
#map1 = affine_map<(d0, d1) -> (0, 0, 0, 0)>
#map2 = affine_map<(d0, d1) -> (0, 0, 0)>
module attributes {stable_mosaic.version = 14 : i64} {
  func.func @_sc_scat_body(%arg0: i32, %arg1: i32, %arg2: memref<10000x128xf32, #tpu.memory_space<hbm>>, %arg3: memref<2x32x100x100xi32, #tpu.memory_space<hbm>>, %arg4: memref<640x128xf32, #tpu.memory_space<hbm>>, %arg5: memref<2x10240x128xf32, #tpu.memory_space<hbm>>, %arg6: memref<4x100xi32, #tpu.memory_space<vmem>>, %arg7: memref<4x100xi32, #tpu.memory_space<vmem>>, %arg8: memref<3x100x128xf32, #tpu.memory_space<vmem>>, %arg9: memref<10240x128xf32, #tpu.memory_space<vmem_shared>>, %arg10: memref<4x!tpu.dma_semaphore, #tpu.memory_space<semaphore_mem>>, %arg11: memref<4x!tpu.dma_semaphore, #tpu.memory_space<semaphore_mem>>, %arg12: memref<3x!tpu.dma_semaphore, #tpu.memory_space<semaphore_mem>>, %arg13: memref<3x!tpu.dma_semaphore, #tpu.memory_space<semaphore_mem>>) attributes {dimension_semantics = [#tpu.dimension_semantics<core_parallel>, #tpu.dimension_semantics<subcore_parallel>], iteration_bounds = array<i64: 2, 16>, scalar_prefetch = 0 : i64, scratch_operands = 8 : i64, tpu.core_type = #tpu.core_type<sc_vector_subcore>, window_params = [{transform_indices = #map}, {transform_indices = #map1}, {transform_indices = #map}, {transform_indices = #map2}]} {
    %mul3A = arith.constant 16 : i32
    %mul3A_0 = arith.muli %arg0, %mul3A : i32
    %add3A = arith.addi %mul3A_0, %arg1 : i32
    %mul3A_1 = arith.constant 640 : i32
    %mul3A_2 = arith.muli %arg1, %mul3A_1 : i32
    %dma_start3A = arith.constant 2 : i32
    %dma_start3A_3 = tpu.memref_slice %arg13[%dma_start3A] : memref<3x!tpu.dma_semaphore, #tpu.memory_space<semaphore_mem>> -> memref<1x!tpu.dma_semaphore, #tpu.memory_space<semaphore_mem>>
    %dma_start3A_4 = tpu.memref_squeeze %dma_start3A_3 : memref<1x!tpu.dma_semaphore, #tpu.memory_space<semaphore_mem>> -> memref<!tpu.dma_semaphore, #tpu.memory_space<semaphore_mem>>
    %dma_start3A_5 = arith.constant 0 : i32
    %dma_start3A_6 = tpu.memref_slice %arg9[%mul3A_2, %dma_start3A_5] : memref<10240x128xf32, #tpu.memory_space<vmem_shared>> -> memref<640x128xf32, #tpu.memory_space<vmem_shared>>
    tpu.enqueue_dma source(%arg4 : memref<640x128xf32, #tpu.memory_space<hbm>>) target(%dma_start3A_6 : memref<640x128xf32, #tpu.memory_space<vmem_shared>>) target_semaphore(%dma_start3A_4 : memref<!tpu.dma_semaphore, #tpu.memory_space<semaphore_mem>>)
    %dma_start3A_7 = arith.constant 0 : i32
    %dma_start3A_8 = arith.constant 0 : i32
    %dma_start3A_9 = arith.constant 0 : i32
    %dma_start3A_10 = arith.constant 0 : i32
    %dma_start3A_11 = arith.constant 0 : i32
    %dma_start3A_12 = tpu.memref_slice %arg6[%dma_start3A_9, %dma_start3A_11] : memref<4x100xi32, #tpu.memory_space<vmem>> -> memref<1x100xi32, #tpu.memory_space<vmem>>
    %dma_start3A_13 = tpu.memref_squeeze %dma_start3A_12 : memref<1x100xi32, #tpu.memory_space<vmem>> -> memref<100xi32, #tpu.memory_space<vmem>>
    %dma_start3A_14 = arith.constant 0 : i32
    %dma_start3A_15 = tpu.memref_slice %arg3[%dma_start3A_7, %add3A, %dma_start3A_8, %dma_start3A_14] : memref<2x32x100x100xi32, #tpu.memory_space<hbm>> -> memref<1x1x1x100xi32, #tpu.memory_space<hbm>>
    %dma_start3A_16 = tpu.memref_squeeze %dma_start3A_15 : memref<1x1x1x100xi32, #tpu.memory_space<hbm>> -> memref<100xi32, #tpu.memory_space<hbm>>
    %dma_start3A_17 = tpu.memref_slice %arg10[%dma_start3A_10] : memref<4x!tpu.dma_semaphore, #tpu.memory_space<semaphore_mem>> -> memref<1x!tpu.dma_semaphore, #tpu.memory_space<semaphore_mem>>
    %dma_start3A_18 = tpu.memref_squeeze %dma_start3A_17 : memref<1x!tpu.dma_semaphore, #tpu.memory_space<semaphore_mem>> -> memref<!tpu.dma_semaphore, #tpu.memory_space<semaphore_mem>>
    %dma_start3A_19 = arith.constant 0 : i32
    %dma_start3A_20 = tpu.memref_slice %arg6[%dma_start3A_9, %dma_start3A_19] : memref<4x100xi32, #tpu.memory_space<vmem>> -> memref<1x100xi32, #tpu.memory_space<vmem>>
    %dma_start3A_21 = tpu.memref_squeeze %dma_start3A_20 : memref<1x100xi32, #tpu.memory_space<vmem>> -> memref<100xi32, #tpu.memory_space<vmem>>
    %dma_start3A_22 = arith.constant 0 : i32
    %dma_start3A_23 = tpu.memref_slice %arg3[%dma_start3A_7, %add3A, %dma_start3A_8, %dma_start3A_22] : memref<2x32x100x100xi32, #tpu.memory_space<hbm>> -> memref<1x1x1x100xi32, #tpu.memory_space<hbm>>
    %dma_start3A_24 = tpu.memref_squeeze %dma_start3A_23 : memref<1x1x1x100xi32, #tpu.memory_space<hbm>> -> memref<100xi32, #tpu.memory_space<hbm>>
    tpu.enqueue_dma source(%dma_start3A_24 : memref<100xi32, #tpu.memory_space<hbm>>) target(%dma_start3A_21 : memref<100xi32, #tpu.memory_space<vmem>>) target_semaphore(%dma_start3A_18 : memref<!tpu.dma_semaphore, #tpu.memory_space<semaphore_mem>>)
    %dma_start3A_25 = arith.constant 1 : i32
    %dma_start3A_26 = arith.constant 0 : i32
    %dma_start3A_27 = arith.constant 0 : i32
    %dma_start3A_28 = arith.constant 0 : i32
    %dma_start3A_29 = arith.constant 0 : i32
    %dma_start3A_30 = tpu.memref_slice %arg7[%dma_start3A_27, %dma_start3A_29] : memref<4x100xi32, #tpu.memory_space<vmem>> -> memref<1x100xi32, #tpu.memory_space<vmem>>
    %dma_start3A_31 = tpu.memref_squeeze %dma_start3A_30 : memref<1x100xi32, #tpu.memory_space<vmem>> -> memref<100xi32, #tpu.memory_space<vmem>>
    %dma_start3A_32 = arith.constant 0 : i32
    %dma_start3A_33 = tpu.memref_slice %arg3[%dma_start3A_25, %add3A, %dma_start3A_26, %dma_start3A_32] : memref<2x32x100x100xi32, #tpu.memory_space<hbm>> -> memref<1x1x1x100xi32, #tpu.memory_space<hbm>>
    %dma_start3A_34 = tpu.memref_squeeze %dma_start3A_33 : memref<1x1x1x100xi32, #tpu.memory_space<hbm>> -> memref<100xi32, #tpu.memory_space<hbm>>
    %dma_start3A_35 = tpu.memref_slice %arg11[%dma_start3A_28] : memref<4x!tpu.dma_semaphore, #tpu.memory_space<semaphore_mem>> -> memref<1x!tpu.dma_semaphore, #tpu.memory_space<semaphore_mem>>
    %dma_start3A_36 = tpu.memref_squeeze %dma_start3A_35 : memref<1x!tpu.dma_semaphore, #tpu.memory_space<semaphore_mem>> -> memref<!tpu.dma_semaphore, #tpu.memory_space<semaphore_mem>>
    %dma_start3A_37 = arith.constant 0 : i32
    %dma_start3A_38 = tpu.memref_slice %arg7[%dma_start3A_27, %dma_start3A_37] : memref<4x100xi32, #tpu.memory_space<vmem>> -> memref<1x100xi32, #tpu.memory_space<vmem>>
    %dma_start3A_39 = tpu.memref_squeeze %dma_start3A_38 : memref<1x100xi32, #tpu.memory_space<vmem>> -> memref<100xi32, #tpu.memory_space<vmem>>
    %dma_start3A_40 = arith.constant 0 : i32
    %dma_start3A_41 = tpu.memref_slice %arg3[%dma_start3A_25, %add3A, %dma_start3A_26, %dma_start3A_40] : memref<2x32x100x100xi32, #tpu.memory_space<hbm>> -> memref<1x1x1x100xi32, #tpu.memory_space<hbm>>
    %dma_start3A_42 = tpu.memref_squeeze %dma_start3A_41 : memref<1x1x1x100xi32, #tpu.memory_space<hbm>> -> memref<100xi32, #tpu.memory_space<hbm>>
    tpu.enqueue_dma source(%dma_start3A_42 : memref<100xi32, #tpu.memory_space<hbm>>) target(%dma_start3A_39 : memref<100xi32, #tpu.memory_space<vmem>>) target_semaphore(%dma_start3A_36 : memref<!tpu.dma_semaphore, #tpu.memory_space<semaphore_mem>>)
    %dma_start3A_43 = arith.constant 0 : i32
    %dma_start3A_44 = arith.constant 1 : i32
    %dma_start3A_45 = arith.constant 1 : i32
    %dma_start3A_46 = arith.constant 1 : i32
    %dma_start3A_47 = arith.constant 0 : i32
    %dma_start3A_48 = tpu.memref_slice %arg6[%dma_start3A_45, %dma_start3A_47] : memref<4x100xi32, #tpu.memory_space<vmem>> -> memref<1x100xi32, #tpu.memory_space<vmem>>
    %dma_start3A_49 = tpu.memref_squeeze %dma_start3A_48 : memref<1x100xi32, #tpu.memory_space<vmem>> -> memref<100xi32, #tpu.memory_space<vmem>>
    %dma_start3A_50 = arith.constant 0 : i32
    %dma_start3A_51 = tpu.memref_slice %arg3[%dma_start3A_43, %add3A, %dma_start3A_44, %dma_start3A_50] : memref<2x32x100x100xi32, #tpu.memory_space<hbm>> -> memref<1x1x1x100xi32, #tpu.memory_space<hbm>>
    %dma_start3A_52 = tpu.memref_squeeze %dma_start3A_51 : memref<1x1x1x100xi32, #tpu.memory_space<hbm>> -> memref<100xi32, #tpu.memory_space<hbm>>
    %dma_start3A_53 = tpu.memref_slice %arg10[%dma_start3A_46] : memref<4x!tpu.dma_semaphore, #tpu.memory_space<semaphore_mem>> -> memref<1x!tpu.dma_semaphore, #tpu.memory_space<semaphore_mem>>
    %dma_start3A_54 = tpu.memref_squeeze %dma_start3A_53 : memref<1x!tpu.dma_semaphore, #tpu.memory_space<semaphore_mem>> -> memref<!tpu.dma_semaphore, #tpu.memory_space<semaphore_mem>>
    %dma_start3A_55 = arith.constant 0 : i32
    %dma_start3A_56 = tpu.memref_slice %arg6[%dma_start3A_45, %dma_start3A_55] : memref<4x100xi32, #tpu.memory_space<vmem>> -> memref<1x100xi32, #tpu.memory_space<vmem>>
    %dma_start3A_57 = tpu.memref_squeeze %dma_start3A_56 : memref<1x100xi32, #tpu.memory_space<vmem>> -> memref<100xi32, #tpu.memory_space<vmem>>
    %dma_start3A_58 = arith.constant 0 : i32
    %dma_start3A_59 = tpu.memref_slice %arg3[%dma_start3A_43, %add3A, %dma_start3A_44, %dma_start3A_58] : memref<2x32x100x100xi32, #tpu.memory_space<hbm>> -> memref<1x1x1x100xi32, #tpu.memory_space<hbm>>
    %dma_start3A_60 = tpu.memref_squeeze %dma_start3A_59 : memref<1x1x1x100xi32, #tpu.memory_space<hbm>> -> memref<100xi32, #tpu.memory_space<hbm>>
    tpu.enqueue_dma source(%dma_start3A_60 : memref<100xi32, #tpu.memory_space<hbm>>) target(%dma_start3A_57 : memref<100xi32, #tpu.memory_space<vmem>>) target_semaphore(%dma_start3A_54 : memref<!tpu.dma_semaphore, #tpu.memory_space<semaphore_mem>>)
    %dma_start3A_61 = arith.constant 1 : i32
    %dma_start3A_62 = arith.constant 1 : i32
    %dma_start3A_63 = arith.constant 1 : i32
    %dma_start3A_64 = arith.constant 1 : i32
    %dma_start3A_65 = arith.constant 0 : i32
    %dma_start3A_66 = tpu.memref_slice %arg7[%dma_start3A_63, %dma_start3A_65] : memref<4x100xi32, #tpu.memory_space<vmem>> -> memref<1x100xi32, #tpu.memory_space<vmem>>
    %dma_start3A_67 = tpu.memref_squeeze %dma_start3A_66 : memref<1x100xi32, #tpu.memory_space<vmem>> -> memref<100xi32, #tpu.memory_space<vmem>>
    %dma_start3A_68 = arith.constant 0 : i32
    %dma_start3A_69 = tpu.memref_slice %arg3[%dma_start3A_61, %add3A, %dma_start3A_62, %dma_start3A_68] : memref<2x32x100x100xi32, #tpu.memory_space<hbm>> -> memref<1x1x1x100xi32, #tpu.memory_space<hbm>>
    %dma_start3A_70 = tpu.memref_squeeze %dma_start3A_69 : memref<1x1x1x100xi32, #tpu.memory_space<hbm>> -> memref<100xi32, #tpu.memory_space<hbm>>
    %dma_start3A_71 = tpu.memref_slice %arg11[%dma_start3A_64] : memref<4x!tpu.dma_semaphore, #tpu.memory_space<semaphore_mem>> -> memref<1x!tpu.dma_semaphore, #tpu.memory_space<semaphore_mem>>
    %dma_start3A_72 = tpu.memref_squeeze %dma_start3A_71 : memref<1x!tpu.dma_semaphore, #tpu.memory_space<semaphore_mem>> -> memref<!tpu.dma_semaphore, #tpu.memory_space<semaphore_mem>>
    %dma_start3A_73 = arith.constant 0 : i32
    %dma_start3A_74 = tpu.memref_slice %arg7[%dma_start3A_63, %dma_start3A_73] : memref<4x100xi32, #tpu.memory_space<vmem>> -> memref<1x100xi32, #tpu.memory_space<vmem>>
    %dma_start3A_75 = tpu.memref_squeeze %dma_start3A_74 : memref<1x100xi32, #tpu.memory_space<vmem>> -> memref<100xi32, #tpu.memory_space<vmem>>
    %dma_start3A_76 = arith.constant 0 : i32
    %dma_start3A_77 = tpu.memref_slice %arg3[%dma_start3A_61, %add3A, %dma_start3A_62, %dma_start3A_76] : memref<2x32x100x100xi32, #tpu.memory_space<hbm>> -> memref<1x1x1x100xi32, #tpu.memory_space<hbm>>
    %dma_start3A_78 = tpu.memref_squeeze %dma_start3A_77 : memref<1x1x1x100xi32, #tpu.memory_space<hbm>> -> memref<100xi32, #tpu.memory_space<hbm>>
    tpu.enqueue_dma source(%dma_start3A_78 : memref<100xi32, #tpu.memory_space<hbm>>) target(%dma_start3A_75 : memref<100xi32, #tpu.memory_space<vmem>>) target_semaphore(%dma_start3A_72 : memref<!tpu.dma_semaphore, #tpu.memory_space<semaphore_mem>>)
    %dma_wait3A = arith.constant 0 : i32
    %dma_wait3A_79 = arith.constant 0 : i32
    %dma_wait3A_80 = arith.constant 0 : i32
    %dma_wait3A_81 = arith.constant 0 : i32
    %dma_wait3A_82 = arith.constant 0 : i32
    %dma_wait3A_83 = tpu.memref_slice %arg6[%dma_wait3A_80, %dma_wait3A_82] : memref<4x100xi32, #tpu.memory_space<vmem>> -> memref<1x100xi32, #tpu.memory_space<vmem>>
    %dma_wait3A_84 = tpu.memref_squeeze %dma_wait3A_83 : memref<1x100xi32, #tpu.memory_space<vmem>> -> memref<100xi32, #tpu.memory_space<vmem>>
    %dma_wait3A_85 = arith.constant 0 : i32
    %dma_wait3A_86 = tpu.memref_slice %arg3[%dma_wait3A, %add3A, %dma_wait3A_79, %dma_wait3A_85] : memref<2x32x100x100xi32, #tpu.memory_space<hbm>> -> memref<1x1x1x100xi32, #tpu.memory_space<hbm>>
    %dma_wait3A_87 = tpu.memref_squeeze %dma_wait3A_86 : memref<1x1x1x100xi32, #tpu.memory_space<hbm>> -> memref<100xi32, #tpu.memory_space<hbm>>
    %dma_wait3A_88 = tpu.memref_slice %arg10[%dma_wait3A_81] : memref<4x!tpu.dma_semaphore, #tpu.memory_space<semaphore_mem>> -> memref<1x!tpu.dma_semaphore, #tpu.memory_space<semaphore_mem>>
    %dma_wait3A_89 = tpu.memref_squeeze %dma_wait3A_88 : memref<1x!tpu.dma_semaphore, #tpu.memory_space<semaphore_mem>> -> memref<!tpu.dma_semaphore, #tpu.memory_space<semaphore_mem>>
    %dma_wait3A_90 = arith.constant 0 : i32
    %dma_wait3A_91 = tpu.memref_slice %arg6[%dma_wait3A_80, %dma_wait3A_90] : memref<4x100xi32, #tpu.memory_space<vmem>> -> memref<1x100xi32, #tpu.memory_space<vmem>>
    %dma_wait3A_92 = tpu.memref_squeeze %dma_wait3A_91 : memref<1x100xi32, #tpu.memory_space<vmem>> -> memref<100xi32, #tpu.memory_space<vmem>>
    %dma_wait3A_93 = arith.constant 0 : i32
    %dma_wait3A_94 = tpu.memref_slice %arg3[%dma_wait3A, %add3A, %dma_wait3A_79, %dma_wait3A_93] : memref<2x32x100x100xi32, #tpu.memory_space<hbm>> -> memref<1x1x1x100xi32, #tpu.memory_space<hbm>>
    %dma_wait3A_95 = tpu.memref_squeeze %dma_wait3A_94 : memref<1x1x1x100xi32, #tpu.memory_space<hbm>> -> memref<100xi32, #tpu.memory_space<hbm>>
    tpu.wait_dma2 semaphore(%dma_wait3A_89 : memref<!tpu.dma_semaphore, #tpu.memory_space<semaphore_mem>>) src(%dma_wait3A_95 : memref<100xi32, #tpu.memory_space<hbm>>) dst(%dma_wait3A_92 : memref<100xi32, #tpu.memory_space<vmem>>)
    %dma_start3A_96 = arith.constant 0 : i32
    %dma_start3A_97 = arith.constant 0 : i32
    %dma_start3A_98 = arith.constant 0 : i32
    %dma_start3A_99 = arith.constant 0 : i32
    %dma_start3A_100 = arith.constant 0 : i32
    %dma_start3A_101 = tpu.memref_slice %arg8[%dma_start3A_97, %dma_start3A_99, %dma_start3A_100] : memref<3x100x128xf32, #tpu.memory_space<vmem>> -> memref<1x100x128xf32, #tpu.memory_space<vmem>>
    %dma_start3A_102 = tpu.memref_squeeze %dma_start3A_101 : memref<1x100x128xf32, #tpu.memory_space<vmem>> -> memref<100x128xf32, #tpu.memory_space<vmem>>
    %dma_start3A_103 = arith.constant 0 : i32
    %dma_start3A_104 = tpu.memref_slice %arg6[%dma_start3A_96, %dma_start3A_103] : memref<4x100xi32, #tpu.memory_space<vmem>> -> memref<1x100xi32, #tpu.memory_space<vmem>>
    %dma_start3A_105 = tpu.memref_squeeze %dma_start3A_104 : memref<1x100xi32, #tpu.memory_space<vmem>> -> memref<100xi32, #tpu.memory_space<vmem>>
    %dma_start3A_106 = arith.constant 0 : i32
    %dma_start3A_107 = arith.constant 0 : i32
    %dma_start3A_108 = tpu.memref_slice %arg2[%dma_start3A_106, %dma_start3A_107] : memref<10000x128xf32, #tpu.memory_space<hbm>> -> memref<10000x128xf32, #tpu.memory_space<hbm>>
    %dma_start3A_109 = tpu.memref_slice %arg12[%dma_start3A_98] : memref<3x!tpu.dma_semaphore, #tpu.memory_space<semaphore_mem>> -> memref<1x!tpu.dma_semaphore, #tpu.memory_space<semaphore_mem>>
    %dma_start3A_110 = tpu.memref_squeeze %dma_start3A_109 : memref<1x!tpu.dma_semaphore, #tpu.memory_space<semaphore_mem>> -> memref<!tpu.dma_semaphore, #tpu.memory_space<semaphore_mem>>
    tpu.enqueue_indirect_dma source(%dma_start3A_108 : memref<10000x128xf32, #tpu.memory_space<hbm>>) target(%dma_start3A_102 : memref<100x128xf32, #tpu.memory_space<vmem>>) offsets(%dma_start3A_105 : memref<100xi32, #tpu.memory_space<vmem>>) semaphore(%dma_start3A_110 : memref<!tpu.dma_semaphore, #tpu.memory_space<semaphore_mem>>)
    %mul3A_111 = arith.constant 640 : i32
    %mul3A_112 = arith.muli %arg1, %mul3A_111 : i32
    %dma_wait3A_113 = arith.constant 2 : i32
    %dma_wait3A_114 = tpu.memref_slice %arg13[%dma_wait3A_113] : memref<3x!tpu.dma_semaphore, #tpu.memory_space<semaphore_mem>> -> memref<1x!tpu.dma_semaphore, #tpu.memory_space<semaphore_mem>>
    %dma_wait3A_115 = tpu.memref_squeeze %dma_wait3A_114 : memref<1x!tpu.dma_semaphore, #tpu.memory_space<semaphore_mem>> -> memref<!tpu.dma_semaphore, #tpu.memory_space<semaphore_mem>>
    %dma_wait3A_116 = arith.constant 0 : i32
    %dma_wait3A_117 = tpu.memref_slice %arg9[%mul3A_112, %dma_wait3A_116] : memref<10240x128xf32, #tpu.memory_space<vmem_shared>> -> memref<640x128xf32, #tpu.memory_space<vmem_shared>>
    tpu.wait_dma2 semaphore(%dma_wait3A_115 : memref<!tpu.dma_semaphore, #tpu.memory_space<semaphore_mem>>) src(%arg4 : memref<640x128xf32, #tpu.memory_space<hbm>>) dst(%dma_wait3A_117 : memref<640x128xf32, #tpu.memory_space<vmem_shared>>)
    %barrier3A = arith.constant 0 : index
    tpu.barrier barrier_id(%barrier3A)
    %scan3A = arith.constant 0 : i32
    %scan3A_118 = arith.constant 0 : i32
    %scan3A_119 = arith.constant 100 : i32
    %scan3A_120 = arith.addi %scan3A_118, %scan3A_119 : i32
    %scan3A_121 = arith.constant 1 : i32
    scf.for %scan3A_156 = %scan3A_118 to %scan3A_120 step %scan3A_121  : i32 {
      %ge3A = arith.constant 2 : i32
      %ge3A_157 = arith.cmpi sge, %scan3A_156, %ge3A : i32
      %convert_element_type3A = arith.extui %ge3A_157 : i1 to i32
      %cond3A = arith.constant 0 : i32
      %cond3A_158 = arith.cmpi ne, %convert_element_type3A, %cond3A : i32
      scf.if %cond3A_158 {
        %sub3A = arith.constant 2 : i32
        %sub3A_214 = arith.subi %scan3A_156, %sub3A : i32
        %rem3A_215 = arith.constant 3 : i32
        %rem3A_216 = arith.remsi %sub3A_214, %rem3A_215 : i32
        %sub3A_217 = arith.constant 2 : i32
        %sub3A_218 = arith.subi %scan3A_156, %sub3A_217 : i32
        %rem3A_219 = arith.constant 4 : i32
        %rem3A_220 = arith.remsi %sub3A_218, %rem3A_219 : i32
        %dma_wait3A_221 = arith.constant 0 : i32
        %dma_wait3A_222 = arith.constant 0 : i32
        %dma_wait3A_223 = tpu.memref_slice %arg8[%rem3A_216, %dma_wait3A_221, %dma_wait3A_222] : memref<3x100x128xf32, #tpu.memory_space<vmem>> -> memref<1x100x128xf32, #tpu.memory_space<vmem>>
        %dma_wait3A_224 = tpu.memref_squeeze %dma_wait3A_223 : memref<1x100x128xf32, #tpu.memory_space<vmem>> -> memref<100x128xf32, #tpu.memory_space<vmem>>
        %dma_wait3A_225 = arith.constant 0 : i32
        %dma_wait3A_226 = tpu.memref_slice %arg7[%rem3A_220, %dma_wait3A_225] : memref<4x100xi32, #tpu.memory_space<vmem>> -> memref<1x100xi32, #tpu.memory_space<vmem>>
        %dma_wait3A_227 = tpu.memref_squeeze %dma_wait3A_226 : memref<1x100xi32, #tpu.memory_space<vmem>> -> memref<100xi32, #tpu.memory_space<vmem>>
        %dma_wait3A_228 = arith.constant 0 : i32
        %dma_wait3A_229 = arith.constant 0 : i32
        %dma_wait3A_230 = tpu.memref_slice %arg9[%dma_wait3A_228, %dma_wait3A_229] : memref<10240x128xf32, #tpu.memory_space<vmem_shared>> -> memref<10240x128xf32, #tpu.memory_space<vmem_shared>>
        %dma_wait3A_231 = tpu.memref_slice %arg13[%rem3A_216] : memref<3x!tpu.dma_semaphore, #tpu.memory_space<semaphore_mem>> -> memref<1x!tpu.dma_semaphore, #tpu.memory_space<semaphore_mem>>
        %dma_wait3A_232 = tpu.memref_squeeze %dma_wait3A_231 : memref<1x!tpu.dma_semaphore, #tpu.memory_space<semaphore_mem>> -> memref<!tpu.dma_semaphore, #tpu.memory_space<semaphore_mem>>
        tpu.wait_indirect_dma semaphore(%dma_wait3A_232 : memref<!tpu.dma_semaphore, #tpu.memory_space<semaphore_mem>>) src(%dma_wait3A_224 : memref<100x128xf32, #tpu.memory_space<vmem>>) dst(%dma_wait3A_230 : memref<10240x128xf32, #tpu.memory_space<vmem_shared>>)
      } else {
      }
      %add3A_159 = arith.constant 2 : i32
      %add3A_160 = arith.addi %scan3A_156, %add3A_159 : i32
      %lt3A = arith.constant 100 : i32
      %lt3A_161 = arith.cmpi slt, %add3A_160, %lt3A : i32
      %convert_element_type3A_162 = arith.extui %lt3A_161 : i1 to i32
      %cond3A_163 = arith.constant 0 : i32
      %cond3A_164 = arith.cmpi ne, %convert_element_type3A_162, %cond3A_163 : i32
      scf.if %cond3A_164 {
        %add3A_214 = arith.constant 2 : i32
        %add3A_215 = arith.addi %scan3A_156, %add3A_214 : i32
        %add3A_216 = arith.constant 2 : i32
        %add3A_217 = arith.addi %scan3A_156, %add3A_216 : i32
        %rem3A_218 = arith.constant 4 : i32
        %rem3A_219 = arith.remsi %add3A_217, %rem3A_218 : i32
        %dma_start3A_220 = arith.constant 0 : i32
        %dma_start3A_221 = arith.constant 0 : i32
        %dma_start3A_222 = tpu.memref_slice %arg6[%rem3A_219, %dma_start3A_221] : memref<4x100xi32, #tpu.memory_space<vmem>> -> memref<1x100xi32, #tpu.memory_space<vmem>>
        %dma_start3A_223 = tpu.memref_squeeze %dma_start3A_222 : memref<1x100xi32, #tpu.memory_space<vmem>> -> memref<100xi32, #tpu.memory_space<vmem>>
        %dma_start3A_224 = arith.constant 0 : i32
        %dma_start3A_225 = tpu.memref_slice %arg3[%dma_start3A_220, %add3A, %add3A_215, %dma_start3A_224] : memref<2x32x100x100xi32, #tpu.memory_space<hbm>> -> memref<1x1x1x100xi32, #tpu.memory_space<hbm>>
        %dma_start3A_226 = tpu.memref_squeeze %dma_start3A_225 : memref<1x1x1x100xi32, #tpu.memory_space<hbm>> -> memref<100xi32, #tpu.memory_space<hbm>>
        %dma_start3A_227 = tpu.memref_slice %arg10[%rem3A_219] : memref<4x!tpu.dma_semaphore, #tpu.memory_space<semaphore_mem>> -> memref<1x!tpu.dma_semaphore, #tpu.memory_space<semaphore_mem>>
        %dma_start3A_228 = tpu.memref_squeeze %dma_start3A_227 : memref<1x!tpu.dma_semaphore, #tpu.memory_space<semaphore_mem>> -> memref<!tpu.dma_semaphore, #tpu.memory_space<semaphore_mem>>
        %dma_start3A_229 = arith.constant 0 : i32
        %dma_start3A_230 = tpu.memref_slice %arg6[%rem3A_219, %dma_start3A_229] : memref<4x100xi32, #tpu.memory_space<vmem>> -> memref<1x100xi32, #tpu.memory_space<vmem>>
        %dma_start3A_231 = tpu.memref_squeeze %dma_start3A_230 : memref<1x100xi32, #tpu.memory_space<vmem>> -> memref<100xi32, #tpu.memory_space<vmem>>
        %dma_start3A_232 = arith.constant 0 : i32
        %dma_start3A_233 = tpu.memref_slice %arg3[%dma_start3A_220, %add3A, %add3A_215, %dma_start3A_232] : memref<2x32x100x100xi32, #tpu.memory_space<hbm>> -> memref<1x1x1x100xi32, #tpu.memory_space<hbm>>
        %dma_start3A_234 = tpu.memref_squeeze %dma_start3A_233 : memref<1x1x1x100xi32, #tpu.memory_space<hbm>> -> memref<100xi32, #tpu.memory_space<hbm>>
        tpu.enqueue_dma source(%dma_start3A_234 : memref<100xi32, #tpu.memory_space<hbm>>) target(%dma_start3A_231 : memref<100xi32, #tpu.memory_space<vmem>>) target_semaphore(%dma_start3A_228 : memref<!tpu.dma_semaphore, #tpu.memory_space<semaphore_mem>>)
        %dma_start3A_235 = arith.constant 1 : i32
        %dma_start3A_236 = arith.constant 0 : i32
        %dma_start3A_237 = tpu.memref_slice %arg7[%rem3A_219, %dma_start3A_236] : memref<4x100xi32, #tpu.memory_space<vmem>> -> memref<1x100xi32, #tpu.memory_space<vmem>>
        %dma_start3A_238 = tpu.memref_squeeze %dma_start3A_237 : memref<1x100xi32, #tpu.memory_space<vmem>> -> memref<100xi32, #tpu.memory_space<vmem>>
        %dma_start3A_239 = arith.constant 0 : i32
        %dma_start3A_240 = tpu.memref_slice %arg3[%dma_start3A_235, %add3A, %add3A_215, %dma_start3A_239] : memref<2x32x100x100xi32, #tpu.memory_space<hbm>> -> memref<1x1x1x100xi32, #tpu.memory_space<hbm>>
        %dma_start3A_241 = tpu.memref_squeeze %dma_start3A_240 : memref<1x1x1x100xi32, #tpu.memory_space<hbm>> -> memref<100xi32, #tpu.memory_space<hbm>>
        %dma_start3A_242 = tpu.memref_slice %arg11[%rem3A_219] : memref<4x!tpu.dma_semaphore, #tpu.memory_space<semaphore_mem>> -> memref<1x!tpu.dma_semaphore, #tpu.memory_space<semaphore_mem>>
        %dma_start3A_243 = tpu.memref_squeeze %dma_start3A_242 : memref<1x!tpu.dma_semaphore, #tpu.memory_space<semaphore_mem>> -> memref<!tpu.dma_semaphore, #tpu.memory_space<semaphore_mem>>
        %dma_start3A_244 = arith.constant 0 : i32
        %dma_start3A_245 = tpu.memref_slice %arg7[%rem3A_219, %dma_start3A_244] : memref<4x100xi32, #tpu.memory_space<vmem>> -> memref<1x100xi32, #tpu.memory_space<vmem>>
        %dma_start3A_246 = tpu.memref_squeeze %dma_start3A_245 : memref<1x100xi32, #tpu.memory_space<vmem>> -> memref<100xi32, #tpu.memory_space<vmem>>
        %dma_start3A_247 = arith.constant 0 : i32
        %dma_start3A_248 = tpu.memref_slice %arg3[%dma_start3A_235, %add3A, %add3A_215, %dma_start3A_247] : memref<2x32x100x100xi32, #tpu.memory_space<hbm>> -> memref<1x1x1x100xi32, #tpu.memory_space<hbm>>
        %dma_start3A_249 = tpu.memref_squeeze %dma_start3A_248 : memref<1x1x1x100xi32, #tpu.memory_space<hbm>> -> memref<100xi32, #tpu.memory_space<hbm>>
        tpu.enqueue_dma source(%dma_start3A_249 : memref<100xi32, #tpu.memory_space<hbm>>) target(%dma_start3A_246 : memref<100xi32, #tpu.memory_space<vmem>>) target_semaphore(%dma_start3A_243 : memref<!tpu.dma_semaphore, #tpu.memory_space<semaphore_mem>>)
      } else {
      }
      %add3A_165 = arith.constant 1 : i32
      %add3A_166 = arith.addi %scan3A_156, %add3A_165 : i32
      %lt3A_167 = arith.constant 100 : i32
      %lt3A_168 = arith.cmpi slt, %add3A_166, %lt3A_167 : i32
      %convert_element_type3A_169 = arith.extui %lt3A_168 : i1 to i32
      %cond3A_170 = arith.constant 0 : i32
      %cond3A_171 = arith.cmpi ne, %convert_element_type3A_169, %cond3A_170 : i32
      scf.if %cond3A_171 {
        %add3A_214 = arith.constant 1 : i32
        %add3A_215 = arith.addi %scan3A_156, %add3A_214 : i32
        %add3A_216 = arith.constant 1 : i32
        %add3A_217 = arith.addi %scan3A_156, %add3A_216 : i32
        %rem3A_218 = arith.constant 4 : i32
        %rem3A_219 = arith.remsi %add3A_217, %rem3A_218 : i32
        %add3A_220 = arith.constant 1 : i32
        %add3A_221 = arith.addi %scan3A_156, %add3A_220 : i32
        %rem3A_222 = arith.constant 3 : i32
        %rem3A_223 = arith.remsi %add3A_221, %rem3A_222 : i32
        %dma_wait3A_224 = arith.constant 0 : i32
        %dma_wait3A_225 = arith.constant 0 : i32
        %dma_wait3A_226 = tpu.memref_slice %arg6[%rem3A_219, %dma_wait3A_225] : memref<4x100xi32, #tpu.memory_space<vmem>> -> memref<1x100xi32, #tpu.memory_space<vmem>>
        %dma_wait3A_227 = tpu.memref_squeeze %dma_wait3A_226 : memref<1x100xi32, #tpu.memory_space<vmem>> -> memref<100xi32, #tpu.memory_space<vmem>>
        %dma_wait3A_228 = arith.constant 0 : i32
        %dma_wait3A_229 = tpu.memref_slice %arg3[%dma_wait3A_224, %add3A, %add3A_215, %dma_wait3A_228] : memref<2x32x100x100xi32, #tpu.memory_space<hbm>> -> memref<1x1x1x100xi32, #tpu.memory_space<hbm>>
        %dma_wait3A_230 = tpu.memref_squeeze %dma_wait3A_229 : memref<1x1x1x100xi32, #tpu.memory_space<hbm>> -> memref<100xi32, #tpu.memory_space<hbm>>
        %dma_wait3A_231 = tpu.memref_slice %arg10[%rem3A_219] : memref<4x!tpu.dma_semaphore, #tpu.memory_space<semaphore_mem>> -> memref<1x!tpu.dma_semaphore, #tpu.memory_space<semaphore_mem>>
        %dma_wait3A_232 = tpu.memref_squeeze %dma_wait3A_231 : memref<1x!tpu.dma_semaphore, #tpu.memory_space<semaphore_mem>> -> memref<!tpu.dma_semaphore, #tpu.memory_space<semaphore_mem>>
        %dma_wait3A_233 = arith.constant 0 : i32
        %dma_wait3A_234 = tpu.memref_slice %arg6[%rem3A_219, %dma_wait3A_233] : memref<4x100xi32, #tpu.memory_space<vmem>> -> memref<1x100xi32, #tpu.memory_space<vmem>>
        %dma_wait3A_235 = tpu.memref_squeeze %dma_wait3A_234 : memref<1x100xi32, #tpu.memory_space<vmem>> -> memref<100xi32, #tpu.memory_space<vmem>>
        %dma_wait3A_236 = arith.constant 0 : i32
        %dma_wait3A_237 = tpu.memref_slice %arg3[%dma_wait3A_224, %add3A, %add3A_215, %dma_wait3A_236] : memref<2x32x100x100xi32, #tpu.memory_space<hbm>> -> memref<1x1x1x100xi32, #tpu.memory_space<hbm>>
        %dma_wait3A_238 = tpu.memref_squeeze %dma_wait3A_237 : memref<1x1x1x100xi32, #tpu.memory_space<hbm>> -> memref<100xi32, #tpu.memory_space<hbm>>
        tpu.wait_dma2 semaphore(%dma_wait3A_232 : memref<!tpu.dma_semaphore, #tpu.memory_space<semaphore_mem>>) src(%dma_wait3A_238 : memref<100xi32, #tpu.memory_space<hbm>>) dst(%dma_wait3A_235 : memref<100xi32, #tpu.memory_space<vmem>>)
        %dma_start3A_239 = arith.constant 0 : i32
        %dma_start3A_240 = arith.constant 0 : i32
        %dma_start3A_241 = tpu.memref_slice %arg8[%rem3A_223, %dma_start3A_239, %dma_start3A_240] : memref<3x100x128xf32, #tpu.memory_space<vmem>> -> memref<1x100x128xf32, #tpu.memory_space<vmem>>
        %dma_start3A_242 = tpu.memref_squeeze %dma_start3A_241 : memref<1x100x128xf32, #tpu.memory_space<vmem>> -> memref<100x128xf32, #tpu.memory_space<vmem>>
        %dma_start3A_243 = arith.constant 0 : i32
        %dma_start3A_244 = tpu.memref_slice %arg6[%rem3A_219, %dma_start3A_243] : memref<4x100xi32, #tpu.memory_space<vmem>> -> memref<1x100xi32, #tpu.memory_space<vmem>>
        %dma_start3A_245 = tpu.memref_squeeze %dma_start3A_244 : memref<1x100xi32, #tpu.memory_space<vmem>> -> memref<100xi32, #tpu.memory_space<vmem>>
        %dma_start3A_246 = arith.constant 0 : i32
        %dma_start3A_247 = arith.constant 0 : i32
        %dma_start3A_248 = tpu.memref_slice %arg2[%dma_start3A_246, %dma_start3A_247] : memref<10000x128xf32, #tpu.memory_space<hbm>> -> memref<10000x128xf32, #tpu.memory_space<hbm>>
        %dma_start3A_249 = tpu.memref_slice %arg12[%rem3A_223] : memref<3x!tpu.dma_semaphore, #tpu.memory_space<semaphore_mem>> -> memref<1x!tpu.dma_semaphore, #tpu.memory_space<semaphore_mem>>
        %dma_start3A_250 = tpu.memref_squeeze %dma_start3A_249 : memref<1x!tpu.dma_semaphore, #tpu.memory_space<semaphore_mem>> -> memref<!tpu.dma_semaphore, #tpu.memory_space<semaphore_mem>>
        tpu.enqueue_indirect_dma source(%dma_start3A_248 : memref<10000x128xf32, #tpu.memory_space<hbm>>) target(%dma_start3A_242 : memref<100x128xf32, #tpu.memory_space<vmem>>) offsets(%dma_start3A_245 : memref<100xi32, #tpu.memory_space<vmem>>) semaphore(%dma_start3A_250 : memref<!tpu.dma_semaphore, #tpu.memory_space<semaphore_mem>>)
      } else {
      }
      %rem3A = arith.constant 3 : i32
      %rem3A_172 = arith.remsi %scan3A_156, %rem3A : i32
      %rem3A_173 = arith.constant 4 : i32
      %rem3A_174 = arith.remsi %scan3A_156, %rem3A_173 : i32
      %dma_wait3A_175 = arith.constant 0 : i32
      %dma_wait3A_176 = arith.constant 0 : i32
      %dma_wait3A_177 = tpu.memref_slice %arg8[%rem3A_172, %dma_wait3A_175, %dma_wait3A_176] : memref<3x100x128xf32, #tpu.memory_space<vmem>> -> memref<1x100x128xf32, #tpu.memory_space<vmem>>
      %dma_wait3A_178 = tpu.memref_squeeze %dma_wait3A_177 : memref<1x100x128xf32, #tpu.memory_space<vmem>> -> memref<100x128xf32, #tpu.memory_space<vmem>>
      %dma_wait3A_179 = arith.constant 0 : i32
      %dma_wait3A_180 = tpu.memref_slice %arg6[%rem3A_174, %dma_wait3A_179] : memref<4x100xi32, #tpu.memory_space<vmem>> -> memref<1x100xi32, #tpu.memory_space<vmem>>
      %dma_wait3A_181 = tpu.memref_squeeze %dma_wait3A_180 : memref<1x100xi32, #tpu.memory_space<vmem>> -> memref<100xi32, #tpu.memory_space<vmem>>
      %dma_wait3A_182 = arith.constant 0 : i32
      %dma_wait3A_183 = arith.constant 0 : i32
      %dma_wait3A_184 = tpu.memref_slice %arg2[%dma_wait3A_182, %dma_wait3A_183] : memref<10000x128xf32, #tpu.memory_space<hbm>> -> memref<10000x128xf32, #tpu.memory_space<hbm>>
      %dma_wait3A_185 = tpu.memref_slice %arg12[%rem3A_172] : memref<3x!tpu.dma_semaphore, #tpu.memory_space<semaphore_mem>> -> memref<1x!tpu.dma_semaphore, #tpu.memory_space<semaphore_mem>>
      %dma_wait3A_186 = tpu.memref_squeeze %dma_wait3A_185 : memref<1x!tpu.dma_semaphore, #tpu.memory_space<semaphore_mem>> -> memref<!tpu.dma_semaphore, #tpu.memory_space<semaphore_mem>>
      tpu.wait_indirect_dma semaphore(%dma_wait3A_186 : memref<!tpu.dma_semaphore, #tpu.memory_space<semaphore_mem>>) src(%dma_wait3A_184 : memref<10000x128xf32, #tpu.memory_space<hbm>>) dst(%dma_wait3A_178 : memref<100x128xf32, #tpu.memory_space<vmem>>)
      %dma_wait3A_187 = arith.constant 1 : i32
      %dma_wait3A_188 = arith.constant 0 : i32
      %dma_wait3A_189 = tpu.memref_slice %arg7[%rem3A_174, %dma_wait3A_188] : memref<4x100xi32, #tpu.memory_space<vmem>> -> memref<1x100xi32, #tpu.memory_space<vmem>>
      %dma_wait3A_190 = tpu.memref_squeeze %dma_wait3A_189 : memref<1x100xi32, #tpu.memory_space<vmem>> -> memref<100xi32, #tpu.memory_space<vmem>>
      %dma_wait3A_191 = arith.constant 0 : i32
      %dma_wait3A_192 = tpu.memref_slice %arg3[%dma_wait3A_187, %add3A, %scan3A_156, %dma_wait3A_191] : memref<2x32x100x100xi32, #tpu.memory_space<hbm>> -> memref<1x1x1x100xi32, #tpu.memory_space<hbm>>
      %dma_wait3A_193 = tpu.memref_squeeze %dma_wait3A_192 : memref<1x1x1x100xi32, #tpu.memory_space<hbm>> -> memref<100xi32, #tpu.memory_space<hbm>>
      %dma_wait3A_194 = tpu.memref_slice %arg11[%rem3A_174] : memref<4x!tpu.dma_semaphore, #tpu.memory_space<semaphore_mem>> -> memref<1x!tpu.dma_semaphore, #tpu.memory_space<semaphore_mem>>
      %dma_wait3A_195 = tpu.memref_squeeze %dma_wait3A_194 : memref<1x!tpu.dma_semaphore, #tpu.memory_space<semaphore_mem>> -> memref<!tpu.dma_semaphore, #tpu.memory_space<semaphore_mem>>
      %dma_wait3A_196 = arith.constant 0 : i32
      %dma_wait3A_197 = tpu.memref_slice %arg7[%rem3A_174, %dma_wait3A_196] : memref<4x100xi32, #tpu.memory_space<vmem>> -> memref<1x100xi32, #tpu.memory_space<vmem>>
      %dma_wait3A_198 = tpu.memref_squeeze %dma_wait3A_197 : memref<1x100xi32, #tpu.memory_space<vmem>> -> memref<100xi32, #tpu.memory_space<vmem>>
      %dma_wait3A_199 = arith.constant 0 : i32
      %dma_wait3A_200 = tpu.memref_slice %arg3[%dma_wait3A_187, %add3A, %scan3A_156, %dma_wait3A_199] : memref<2x32x100x100xi32, #tpu.memory_space<hbm>> -> memref<1x1x1x100xi32, #tpu.memory_space<hbm>>
      %dma_wait3A_201 = tpu.memref_squeeze %dma_wait3A_200 : memref<1x1x1x100xi32, #tpu.memory_space<hbm>> -> memref<100xi32, #tpu.memory_space<hbm>>
      tpu.wait_dma2 semaphore(%dma_wait3A_195 : memref<!tpu.dma_semaphore, #tpu.memory_space<semaphore_mem>>) src(%dma_wait3A_201 : memref<100xi32, #tpu.memory_space<hbm>>) dst(%dma_wait3A_198 : memref<100xi32, #tpu.memory_space<vmem>>)
      %dma_start3A_202 = arith.constant 0 : i32
      %dma_start3A_203 = arith.constant 0 : i32
      %dma_start3A_204 = tpu.memref_slice %arg8[%rem3A_172, %dma_start3A_202, %dma_start3A_203] : memref<3x100x128xf32, #tpu.memory_space<vmem>> -> memref<1x100x128xf32, #tpu.memory_space<vmem>>
      %dma_start3A_205 = tpu.memref_squeeze %dma_start3A_204 : memref<1x100x128xf32, #tpu.memory_space<vmem>> -> memref<100x128xf32, #tpu.memory_space<vmem>>
      %dma_start3A_206 = arith.constant 0 : i32
      %dma_start3A_207 = tpu.memref_slice %arg7[%rem3A_174, %dma_start3A_206] : memref<4x100xi32, #tpu.memory_space<vmem>> -> memref<1x100xi32, #tpu.memory_space<vmem>>
      %dma_start3A_208 = tpu.memref_squeeze %dma_start3A_207 : memref<1x100xi32, #tpu.memory_space<vmem>> -> memref<100xi32, #tpu.memory_space<vmem>>
      %dma_start3A_209 = arith.constant 0 : i32
      %dma_start3A_210 = arith.constant 0 : i32
      %dma_start3A_211 = tpu.memref_slice %arg9[%dma_start3A_209, %dma_start3A_210] : memref<10240x128xf32, #tpu.memory_space<vmem_shared>> -> memref<10240x128xf32, #tpu.memory_space<vmem_shared>>
      %dma_start3A_212 = tpu.memref_slice %arg13[%rem3A_172] : memref<3x!tpu.dma_semaphore, #tpu.memory_space<semaphore_mem>> -> memref<1x!tpu.dma_semaphore, #tpu.memory_space<semaphore_mem>>
      %dma_start3A_213 = tpu.memref_squeeze %dma_start3A_212 : memref<1x!tpu.dma_semaphore, #tpu.memory_space<semaphore_mem>> -> memref<!tpu.dma_semaphore, #tpu.memory_space<semaphore_mem>>
      tpu.enqueue_indirect_dma source(%dma_start3A_205 : memref<100x128xf32, #tpu.memory_space<vmem>>) target(%dma_start3A_211 : memref<10240x128xf32, #tpu.memory_space<vmem_shared>>) offsets(%dma_start3A_208 : memref<100xi32, #tpu.memory_space<vmem>>) semaphore(%dma_start3A_213 : memref<!tpu.dma_semaphore, #tpu.memory_space<semaphore_mem>>) {add = true}
    }
    %scan3A_122 = arith.constant 100 : i32
    %dma_wait3A_123 = arith.constant 2 : i32
    %dma_wait3A_124 = arith.constant 2 : i32
    %dma_wait3A_125 = arith.constant 2 : i32
    %dma_wait3A_126 = arith.constant 0 : i32
    %dma_wait3A_127 = arith.constant 0 : i32
    %dma_wait3A_128 = tpu.memref_slice %arg8[%dma_wait3A_123, %dma_wait3A_126, %dma_wait3A_127] : memref<3x100x128xf32, #tpu.memory_space<vmem>> -> memref<1x100x128xf32, #tpu.memory_space<vmem>>
    %dma_wait3A_129 = tpu.memref_squeeze %dma_wait3A_128 : memref<1x100x128xf32, #tpu.memory_space<vmem>> -> memref<100x128xf32, #tpu.memory_space<vmem>>
    %dma_wait3A_130 = arith.constant 0 : i32
    %dma_wait3A_131 = tpu.memref_slice %arg7[%dma_wait3A_124, %dma_wait3A_130] : memref<4x100xi32, #tpu.memory_space<vmem>> -> memref<1x100xi32, #tpu.memory_space<vmem>>
    %dma_wait3A_132 = tpu.memref_squeeze %dma_wait3A_131 : memref<1x100xi32, #tpu.memory_space<vmem>> -> memref<100xi32, #tpu.memory_space<vmem>>
    %dma_wait3A_133 = arith.constant 0 : i32
    %dma_wait3A_134 = arith.constant 0 : i32
    %dma_wait3A_135 = tpu.memref_slice %arg9[%dma_wait3A_133, %dma_wait3A_134] : memref<10240x128xf32, #tpu.memory_space<vmem_shared>> -> memref<10240x128xf32, #tpu.memory_space<vmem_shared>>
    %dma_wait3A_136 = tpu.memref_slice %arg13[%dma_wait3A_125] : memref<3x!tpu.dma_semaphore, #tpu.memory_space<semaphore_mem>> -> memref<1x!tpu.dma_semaphore, #tpu.memory_space<semaphore_mem>>
    %dma_wait3A_137 = tpu.memref_squeeze %dma_wait3A_136 : memref<1x!tpu.dma_semaphore, #tpu.memory_space<semaphore_mem>> -> memref<!tpu.dma_semaphore, #tpu.memory_space<semaphore_mem>>
    tpu.wait_indirect_dma semaphore(%dma_wait3A_137 : memref<!tpu.dma_semaphore, #tpu.memory_space<semaphore_mem>>) src(%dma_wait3A_129 : memref<100x128xf32, #tpu.memory_space<vmem>>) dst(%dma_wait3A_135 : memref<10240x128xf32, #tpu.memory_space<vmem_shared>>)
    %dma_wait3A_138 = arith.constant 0 : i32
    %dma_wait3A_139 = arith.constant 3 : i32
    %dma_wait3A_140 = arith.constant 0 : i32
    %dma_wait3A_141 = arith.constant 0 : i32
    %dma_wait3A_142 = arith.constant 0 : i32
    %dma_wait3A_143 = tpu.memref_slice %arg8[%dma_wait3A_138, %dma_wait3A_141, %dma_wait3A_142] : memref<3x100x128xf32, #tpu.memory_space<vmem>> -> memref<1x100x128xf32, #tpu.memory_space<vmem>>
    %dma_wait3A_144 = tpu.memref_squeeze %dma_wait3A_143 : memref<1x100x128xf32, #tpu.memory_space<vmem>> -> memref<100x128xf32, #tpu.memory_space<vmem>>
    %dma_wait3A_145 = arith.constant 0 : i32
    %dma_wait3A_146 = tpu.memref_slice %arg7[%dma_wait3A_139, %dma_wait3A_145] : memref<4x100xi32, #tpu.memory_space<vmem>> -> memref<1x100xi32, #tpu.memory_space<vmem>>
    %dma_wait3A_147 = tpu.memref_squeeze %dma_wait3A_146 : memref<1x100xi32, #tpu.memory_space<vmem>> -> memref<100xi32, #tpu.memory_space<vmem>>
    %dma_wait3A_148 = arith.constant 0 : i32
    %dma_wait3A_149 = arith.constant 0 : i32
    %dma_wait3A_150 = tpu.memref_slice %arg9[%dma_wait3A_148, %dma_wait3A_149] : memref<10240x128xf32, #tpu.memory_space<vmem_shared>> -> memref<10240x128xf32, #tpu.memory_space<vmem_shared>>
    %dma_wait3A_151 = tpu.memref_slice %arg13[%dma_wait3A_140] : memref<3x!tpu.dma_semaphore, #tpu.memory_space<semaphore_mem>> -> memref<1x!tpu.dma_semaphore, #tpu.memory_space<semaphore_mem>>
    %dma_wait3A_152 = tpu.memref_squeeze %dma_wait3A_151 : memref<1x!tpu.dma_semaphore, #tpu.memory_space<semaphore_mem>> -> memref<!tpu.dma_semaphore, #tpu.memory_space<semaphore_mem>>
    tpu.wait_indirect_dma semaphore(%dma_wait3A_152 : memref<!tpu.dma_semaphore, #tpu.memory_space<semaphore_mem>>) src(%dma_wait3A_144 : memref<100x128xf32, #tpu.memory_space<vmem>>) dst(%dma_wait3A_150 : memref<10240x128xf32, #tpu.memory_space<vmem_shared>>)
    %barrier3A_153 = arith.constant 0 : index
    tpu.barrier barrier_id(%barrier3A_153)
    %mul3A_154 = arith.constant 640 : i32
    %mul3A_155 = arith.muli %arg1, %mul3A_154 : i32
    "tpu.region"() ({
      %run_scoped3A = tpu.sem_alloc : memref<!tpu.dma_semaphore, #tpu.memory_space<semaphore_mem>>
      %dma_start3A_156 = arith.constant 0 : i32
      %dma_start3A_157 = tpu.memref_slice %arg5[%arg0, %mul3A_155, %dma_start3A_156] : memref<2x10240x128xf32, #tpu.memory_space<hbm>> -> memref<1x640x128xf32, #tpu.memory_space<hbm>>
      %dma_start3A_158 = tpu.memref_squeeze %dma_start3A_157 : memref<1x640x128xf32, #tpu.memory_space<hbm>> -> memref<640x128xf32, #tpu.memory_space<hbm>>
      %dma_start3A_159 = arith.constant 0 : i32
      %dma_start3A_160 = tpu.memref_slice %arg9[%mul3A_155, %dma_start3A_159] : memref<10240x128xf32, #tpu.memory_space<vmem_shared>> -> memref<640x128xf32, #tpu.memory_space<vmem_shared>>
      tpu.enqueue_dma source(%dma_start3A_160 : memref<640x128xf32, #tpu.memory_space<vmem_shared>>) target(%dma_start3A_158 : memref<640x128xf32, #tpu.memory_space<hbm>>) target_semaphore(%run_scoped3A : memref<!tpu.dma_semaphore, #tpu.memory_space<semaphore_mem>>)
      %dma_wait3A_161 = arith.constant 0 : i32
      %dma_wait3A_162 = tpu.memref_slice %arg5[%arg0, %mul3A_155, %dma_wait3A_161] : memref<2x10240x128xf32, #tpu.memory_space<hbm>> -> memref<1x640x128xf32, #tpu.memory_space<hbm>>
      %dma_wait3A_163 = tpu.memref_squeeze %dma_wait3A_162 : memref<1x640x128xf32, #tpu.memory_space<hbm>> -> memref<640x128xf32, #tpu.memory_space<hbm>>
      %dma_wait3A_164 = arith.constant 0 : i32
      %dma_wait3A_165 = tpu.memref_slice %arg9[%mul3A_155, %dma_wait3A_164] : memref<10240x128xf32, #tpu.memory_space<vmem_shared>> -> memref<640x128xf32, #tpu.memory_space<vmem_shared>>
      tpu.wait_dma2 semaphore(%run_scoped3A : memref<!tpu.dma_semaphore, #tpu.memory_space<semaphore_mem>>) src(%dma_wait3A_165 : memref<640x128xf32, #tpu.memory_space<vmem_shared>>) dst(%dma_wait3A_163 : memref<640x128xf32, #tpu.memory_space<hbm>>)
      tpu.yield
    }) : () -> ()
    return
  }
}

#map = affine_map<(d0, d1) -> (0, 0, 0, 0)>
#map1 = affine_map<(d0, d1) -> (0)>
#map2 = affine_map<(d0, d1) -> (0, 0)>
module attributes {stable_mosaic.version = 14 : i64} {
  func.func @_sc_deg_body(%arg0: i32, %arg1: i32, %arg2: memref<2x32x100x100xi32, #tpu.memory_space<hbm>>, %arg3: memref<100xf32, #tpu.memory_space<hbm>>, %arg4: memref<640xf32, #tpu.memory_space<hbm>>, %arg5: memref<2x10240xf32, #tpu.memory_space<hbm>>, %arg6: memref<100x100xi32, #tpu.memory_space<vmem>>, %arg7: memref<100xf32, #tpu.memory_space<vmem>>, %arg8: memref<10240xf32, #tpu.memory_space<vmem_shared>>, %arg9: memref<2x!tpu.dma_semaphore, #tpu.memory_space<semaphore_mem>>) attributes {dimension_semantics = [#tpu.dimension_semantics<core_parallel>, #tpu.dimension_semantics<subcore_parallel>], iteration_bounds = array<i64: 2, 16>, scalar_prefetch = 0 : i64, scratch_operands = 4 : i64, tpu.core_type = #tpu.core_type<sc_vector_subcore>, window_params = [{transform_indices = #map}, {transform_indices = #map1}, {transform_indices = #map1}, {transform_indices = #map2}]} {
    %mul3A = arith.constant 16 : i32
    %mul3A_0 = arith.muli %arg0, %mul3A : i32
    %add3A = arith.addi %mul3A_0, %arg1 : i32
    %run_scoped3A = arith.constant 1 : i32
    "tpu.region"() ({
      %run_scoped3A_19 = tpu.sem_alloc : memref<!tpu.dma_semaphore, #tpu.memory_space<semaphore_mem>>
      %dma_start3A_20 = arith.constant 0 : i32
      %dma_start3A_21 = arith.constant 0 : i32
      %dma_start3A_22 = tpu.memref_slice %arg2[%run_scoped3A, %add3A, %dma_start3A_20, %dma_start3A_21] : memref<2x32x100x100xi32, #tpu.memory_space<hbm>> -> memref<1x1x100x100xi32, #tpu.memory_space<hbm>>
      %dma_start3A_23 = tpu.memref_squeeze %dma_start3A_22 : memref<1x1x100x100xi32, #tpu.memory_space<hbm>> -> memref<100x100xi32, #tpu.memory_space<hbm>>
      %dma_start3A_24 = arith.constant 0 : i32
      %dma_start3A_25 = arith.constant 0 : i32
      %dma_start3A_26 = tpu.memref_slice %arg2[%run_scoped3A, %add3A, %dma_start3A_24, %dma_start3A_25] : memref<2x32x100x100xi32, #tpu.memory_space<hbm>> -> memref<1x1x100x100xi32, #tpu.memory_space<hbm>>
      %dma_start3A_27 = tpu.memref_squeeze %dma_start3A_26 : memref<1x1x100x100xi32, #tpu.memory_space<hbm>> -> memref<100x100xi32, #tpu.memory_space<hbm>>
      tpu.enqueue_dma source(%dma_start3A_27 : memref<100x100xi32, #tpu.memory_space<hbm>>) target(%arg6 : memref<100x100xi32, #tpu.memory_space<vmem>>) target_semaphore(%run_scoped3A_19 : memref<!tpu.dma_semaphore, #tpu.memory_space<semaphore_mem>>)
      %dma_wait3A = arith.constant 0 : i32
      %dma_wait3A_28 = arith.constant 0 : i32
      %dma_wait3A_29 = tpu.memref_slice %arg2[%run_scoped3A, %add3A, %dma_wait3A, %dma_wait3A_28] : memref<2x32x100x100xi32, #tpu.memory_space<hbm>> -> memref<1x1x100x100xi32, #tpu.memory_space<hbm>>
      %dma_wait3A_30 = tpu.memref_squeeze %dma_wait3A_29 : memref<1x1x100x100xi32, #tpu.memory_space<hbm>> -> memref<100x100xi32, #tpu.memory_space<hbm>>
      %dma_wait3A_31 = arith.constant 0 : i32
      %dma_wait3A_32 = arith.constant 0 : i32
      %dma_wait3A_33 = tpu.memref_slice %arg2[%run_scoped3A, %add3A, %dma_wait3A_31, %dma_wait3A_32] : memref<2x32x100x100xi32, #tpu.memory_space<hbm>> -> memref<1x1x100x100xi32, #tpu.memory_space<hbm>>
      %dma_wait3A_34 = tpu.memref_squeeze %dma_wait3A_33 : memref<1x1x100x100xi32, #tpu.memory_space<hbm>> -> memref<100x100xi32, #tpu.memory_space<hbm>>
      tpu.wait_dma2 semaphore(%run_scoped3A_19 : memref<!tpu.dma_semaphore, #tpu.memory_space<semaphore_mem>>) src(%dma_wait3A_34 : memref<100x100xi32, #tpu.memory_space<hbm>>) dst(%arg6 : memref<100x100xi32, #tpu.memory_space<vmem>>)
      tpu.yield
    }) : () -> ()
    "tpu.region"() ({
      %run_scoped3A_19 = tpu.sem_alloc : memref<!tpu.dma_semaphore, #tpu.memory_space<semaphore_mem>>
      tpu.enqueue_dma source(%arg3 : memref<100xf32, #tpu.memory_space<hbm>>) target(%arg7 : memref<100xf32, #tpu.memory_space<vmem>>) target_semaphore(%run_scoped3A_19 : memref<!tpu.dma_semaphore, #tpu.memory_space<semaphore_mem>>)
      tpu.wait_dma2 semaphore(%run_scoped3A_19 : memref<!tpu.dma_semaphore, #tpu.memory_space<semaphore_mem>>) src(%arg3 : memref<100xf32, #tpu.memory_space<hbm>>) dst(%arg7 : memref<100xf32, #tpu.memory_space<vmem>>)
      tpu.yield
    }) : () -> ()
    %mul3A_1 = arith.constant 640 : i32
    %mul3A_2 = arith.muli %arg1, %mul3A_1 : i32
    "tpu.region"() ({
      %run_scoped3A_19 = tpu.sem_alloc : memref<!tpu.dma_semaphore, #tpu.memory_space<semaphore_mem>>
      %dma_start3A_20 = tpu.memref_slice %arg8[%mul3A_2] : memref<10240xf32, #tpu.memory_space<vmem_shared>> -> memref<640xf32, #tpu.memory_space<vmem_shared>>
      tpu.enqueue_dma source(%arg4 : memref<640xf32, #tpu.memory_space<hbm>>) target(%dma_start3A_20 : memref<640xf32, #tpu.memory_space<vmem_shared>>) target_semaphore(%run_scoped3A_19 : memref<!tpu.dma_semaphore, #tpu.memory_space<semaphore_mem>>)
      %dma_wait3A = tpu.memref_slice %arg8[%mul3A_2] : memref<10240xf32, #tpu.memory_space<vmem_shared>> -> memref<640xf32, #tpu.memory_space<vmem_shared>>
      tpu.wait_dma2 semaphore(%run_scoped3A_19 : memref<!tpu.dma_semaphore, #tpu.memory_space<semaphore_mem>>) src(%arg4 : memref<640xf32, #tpu.memory_space<hbm>>) dst(%dma_wait3A : memref<640xf32, #tpu.memory_space<vmem_shared>>)
      tpu.yield
    }) : () -> ()
    %barrier3A = arith.constant 0 : index
    tpu.barrier barrier_id(%barrier3A)
    %dma_start3A = arith.constant 0 : i32
    %dma_start3A_3 = arith.constant 0 : i32
    %dma_start3A_4 = arith.constant 0 : i32
    %dma_start3A_5 = tpu.memref_slice %arg6[%dma_start3A, %dma_start3A_4] : memref<100x100xi32, #tpu.memory_space<vmem>> -> memref<1x100xi32, #tpu.memory_space<vmem>>
    %dma_start3A_6 = tpu.memref_squeeze %dma_start3A_5 : memref<1x100xi32, #tpu.memory_space<vmem>> -> memref<100xi32, #tpu.memory_space<vmem>>
    %dma_start3A_7 = arith.constant 0 : i32
    %dma_start3A_8 = tpu.memref_slice %arg8[%dma_start3A_7] : memref<10240xf32, #tpu.memory_space<vmem_shared>> -> memref<10240xf32, #tpu.memory_space<vmem_shared>>
    %dma_start3A_9 = tpu.memref_slice %arg9[%dma_start3A_3] : memref<2x!tpu.dma_semaphore, #tpu.memory_space<semaphore_mem>> -> memref<1x!tpu.dma_semaphore, #tpu.memory_space<semaphore_mem>>
    %dma_start3A_10 = tpu.memref_squeeze %dma_start3A_9 : memref<1x!tpu.dma_semaphore, #tpu.memory_space<semaphore_mem>> -> memref<!tpu.dma_semaphore, #tpu.memory_space<semaphore_mem>>
    tpu.enqueue_indirect_dma source(%arg7 : memref<100xf32, #tpu.memory_space<vmem>>) target(%dma_start3A_8 : memref<10240xf32, #tpu.memory_space<vmem_shared>>) offsets(%dma_start3A_6 : memref<100xi32, #tpu.memory_space<vmem>>) semaphore(%dma_start3A_10 : memref<!tpu.dma_semaphore, #tpu.memory_space<semaphore_mem>>) {add = true}
    %scan3A = arith.constant 0 : i32
    %scan3A_11 = arith.constant 0 : i32
    %scan3A_12 = arith.constant 100 : i32
    %scan3A_13 = arith.addi %scan3A_11, %scan3A_12 : i32
    %scan3A_14 = arith.constant 1 : i32
    scf.for %scan3A_19 = %scan3A_11 to %scan3A_13 step %scan3A_14  : i32 {
      %add3A_20 = arith.constant 1 : i32
      %add3A_21 = arith.addi %scan3A_19, %add3A_20 : i32
      %lt3A = arith.constant 100 : i32
      %lt3A_22 = arith.cmpi slt, %add3A_21, %lt3A : i32
      %convert_element_type3A = arith.extui %lt3A_22 : i1 to i32
      %cond3A = arith.constant 0 : i32
      %cond3A_23 = arith.cmpi ne, %convert_element_type3A, %cond3A : i32
      scf.if %cond3A_23 {
        %add3A_31 = arith.constant 1 : i32
        %add3A_32 = arith.addi %scan3A_19, %add3A_31 : i32
        %add3A_33 = arith.constant 1 : i32
        %add3A_34 = arith.addi %scan3A_19, %add3A_33 : i32
        %rem3A_35 = arith.constant 2 : i32
        %rem3A_36 = arith.remsi %add3A_34, %rem3A_35 : i32
        %dma_start3A_37 = arith.constant 0 : i32
        %dma_start3A_38 = tpu.memref_slice %arg6[%add3A_32, %dma_start3A_37] : memref<100x100xi32, #tpu.memory_space<vmem>> -> memref<1x100xi32, #tpu.memory_space<vmem>>
        %dma_start3A_39 = tpu.memref_squeeze %dma_start3A_38 : memref<1x100xi32, #tpu.memory_space<vmem>> -> memref<100xi32, #tpu.memory_space<vmem>>
        %dma_start3A_40 = arith.constant 0 : i32
        %dma_start3A_41 = tpu.memref_slice %arg8[%dma_start3A_40] : memref<10240xf32, #tpu.memory_space<vmem_shared>> -> memref<10240xf32, #tpu.memory_space<vmem_shared>>
        %dma_start3A_42 = tpu.memref_slice %arg9[%rem3A_36] : memref<2x!tpu.dma_semaphore, #tpu.memory_space<semaphore_mem>> -> memref<1x!tpu.dma_semaphore, #tpu.memory_space<semaphore_mem>>
        %dma_start3A_43 = tpu.memref_squeeze %dma_start3A_42 : memref<1x!tpu.dma_semaphore, #tpu.memory_space<semaphore_mem>> -> memref<!tpu.dma_semaphore, #tpu.memory_space<semaphore_mem>>
        tpu.enqueue_indirect_dma source(%arg7 : memref<100xf32, #tpu.memory_space<vmem>>) target(%dma_start3A_41 : memref<10240xf32, #tpu.memory_space<vmem_shared>>) offsets(%dma_start3A_39 : memref<100xi32, #tpu.memory_space<vmem>>) semaphore(%dma_start3A_43 : memref<!tpu.dma_semaphore, #tpu.memory_space<semaphore_mem>>) {add = true}
      } else {
      }
      %rem3A = arith.constant 2 : i32
      %rem3A_24 = arith.remsi %scan3A_19, %rem3A : i32
      %dma_wait3A = arith.constant 0 : i32
      %dma_wait3A_25 = tpu.memref_slice %arg6[%scan3A_19, %dma_wait3A] : memref<100x100xi32, #tpu.memory_space<vmem>> -> memref<1x100xi32, #tpu.memory_space<vmem>>
      %dma_wait3A_26 = tpu.memref_squeeze %dma_wait3A_25 : memref<1x100xi32, #tpu.memory_space<vmem>> -> memref<100xi32, #tpu.memory_space<vmem>>
      %dma_wait3A_27 = arith.constant 0 : i32
      %dma_wait3A_28 = tpu.memref_slice %arg8[%dma_wait3A_27] : memref<10240xf32, #tpu.memory_space<vmem_shared>> -> memref<10240xf32, #tpu.memory_space<vmem_shared>>
      %dma_wait3A_29 = tpu.memref_slice %arg9[%rem3A_24] : memref<2x!tpu.dma_semaphore, #tpu.memory_space<semaphore_mem>> -> memref<1x!tpu.dma_semaphore, #tpu.memory_space<semaphore_mem>>
      %dma_wait3A_30 = tpu.memref_squeeze %dma_wait3A_29 : memref<1x!tpu.dma_semaphore, #tpu.memory_space<semaphore_mem>> -> memref<!tpu.dma_semaphore, #tpu.memory_space<semaphore_mem>>
      tpu.wait_indirect_dma semaphore(%dma_wait3A_30 : memref<!tpu.dma_semaphore, #tpu.memory_space<semaphore_mem>>) src(%arg7 : memref<100xf32, #tpu.memory_space<vmem>>) dst(%dma_wait3A_28 : memref<10240xf32, #tpu.memory_space<vmem_shared>>)
    }
    %scan3A_15 = arith.constant 100 : i32
    %barrier3A_16 = arith.constant 0 : index
    tpu.barrier barrier_id(%barrier3A_16)
    %mul3A_17 = arith.constant 640 : i32
    %mul3A_18 = arith.muli %arg1, %mul3A_17 : i32
    "tpu.region"() ({
      %run_scoped3A_19 = tpu.sem_alloc : memref<!tpu.dma_semaphore, #tpu.memory_space<semaphore_mem>>
      %dma_start3A_20 = tpu.memref_slice %arg5[%arg0, %mul3A_18] : memref<2x10240xf32, #tpu.memory_space<hbm>> -> memref<1x640xf32, #tpu.memory_space<hbm>>
      %dma_start3A_21 = tpu.memref_squeeze %dma_start3A_20 : memref<1x640xf32, #tpu.memory_space<hbm>> -> memref<640xf32, #tpu.memory_space<hbm>>
      %dma_start3A_22 = tpu.memref_slice %arg8[%mul3A_18] : memref<10240xf32, #tpu.memory_space<vmem_shared>> -> memref<640xf32, #tpu.memory_space<vmem_shared>>
      tpu.enqueue_dma source(%dma_start3A_22 : memref<640xf32, #tpu.memory_space<vmem_shared>>) target(%dma_start3A_21 : memref<640xf32, #tpu.memory_space<hbm>>) target_semaphore(%run_scoped3A_19 : memref<!tpu.dma_semaphore, #tpu.memory_space<semaphore_mem>>)
      %dma_wait3A = tpu.memref_slice %arg5[%arg0, %mul3A_18] : memref<2x10240xf32, #tpu.memory_space<hbm>> -> memref<1x640xf32, #tpu.memory_space<hbm>>
      %dma_wait3A_23 = tpu.memref_squeeze %dma_wait3A : memref<1x640xf32, #tpu.memory_space<hbm>> -> memref<640xf32, #tpu.memory_space<hbm>>
      %dma_wait3A_24 = tpu.memref_slice %arg8[%mul3A_18] : memref<10240xf32, #tpu.memory_space<vmem_shared>> -> memref<640xf32, #tpu.memory_space<vmem_shared>>
      tpu.wait_dma2 semaphore(%run_scoped3A_19 : memref<!tpu.dma_semaphore, #tpu.memory_space<semaphore_mem>>) src(%dma_wait3A_24 : memref<640xf32, #tpu.memory_space<vmem_shared>>) dst(%dma_wait3A_23 : memref<640xf32, #tpu.memory_space<hbm>>)
      tpu.yield
    }) : () -> ()
    return
  }
}

module attributes {stable_mosaic.version = 14 : i64} {
  func.func @_tc_prep_body(%arg0: i32, %arg1: memref<10240x128xf32, #tpu.memory_space<vmem>>, %arg2: memref<128x128xf32, #tpu.memory_space<vmem>>, %arg3: memref<2x10240xf32, #tpu.memory_space<vmem>>, %arg4: memref<10240x128xf32, #tpu.memory_space<vmem>>) attributes {dimension_semantics = [#tpu.dimension_semantics<arbitrary>], iteration_bounds = array<i64: 1>, scalar_prefetch = 0 : i64, scratch_operands = 0 : i64, tpu.core_type = #tpu.core_type<tc>, window_params = [{transform_indices = @transform_0, window_bounds = array<i64: 10240, 128>}, {pipeline_mode = #tpu.pipeline_mode<synchronous>, transform_indices = @transform_1, window_bounds = array<i64: 128, 128>}, {transform_indices = @transform_2, window_bounds = array<i64: 2, 10240>}, {transform_indices = @transform_3, window_bounds = array<i64: 10240, 128>}]} {
    %get3A = arith.constant 0 : index
    %get3A_0 = arith.constant 0 : index
    %get3A_1 = vector.load %arg1[%get3A, %get3A_0] : memref<10240x128xf32, #tpu.memory_space<vmem>>, vector<10240x128xf32>
    %get3A_2 = arith.constant 0 : index
    %get3A_3 = arith.constant 0 : index
    %get3A_4 = vector.load %arg2[%get3A_2, %get3A_3] : memref<128x128xf32, #tpu.memory_space<vmem>>, vector<128x128xf32>
    %dot_general3A = arith.constant dense<0.000000e+00> : vector<10240x128xf32>
    %dot_general3A_5 = tpu.matmul %get3A_1, %get3A_4, %dot_general3A {dimension_numbers = #tpu.dot_dimension_numbers<[1], [0], [0], [1], [0, 0, 1, 1], [], []>, transpose_lhs_hint = false} : vector<10240x128xf32>, vector<128x128xf32>, vector<10240x128xf32> -> vector<10240x128xf32>
    %get3A_6 = arith.constant 0 : index
    %get3A_7 = arith.constant 0 : index
    %get3A_8 = vector.load %arg3[%get3A_6, %get3A_7] : memref<2x10240xf32, #tpu.memory_space<vmem>>, vector<1x10240xf32>
    %get3A_9 = vector.shape_cast %get3A_8 : vector<1x10240xf32> to vector<10240xf32>
    %get3A_10 = arith.constant 1 : index
    %get3A_11 = arith.constant 0 : index
    %get3A_12 = vector.load %arg3[%get3A_10, %get3A_11] : memref<2x10240xf32, #tpu.memory_space<vmem>>, vector<1x10240xf32>
    %get3A_13 = vector.shape_cast %get3A_12 : vector<1x10240xf32> to vector<10240xf32>
    %add3A = arith.addf %get3A_9, %get3A_13 : vector<10240xf32>
    %add3A_14 = arith.constant 1.000000e+00 : f32
    %add3A_15 = vector.broadcast %add3A_14 : f32 to vector<10240xf32>
    %add3A_16 = arith.addf %add3A, %add3A_15 : vector<10240xf32>
    %rsqrt3A = math.rsqrt %add3A_16 : vector<10240xf32>
    %broadcast_in_dim3A = vector.shape_cast %rsqrt3A : vector<10240xf32> to vector<10240x1xf32>
    %mul3A = vector.broadcast %broadcast_in_dim3A : vector<10240x1xf32> to vector<10240x128xf32>
    %mul3A_17 = arith.mulf %dot_general3A_5, %mul3A : vector<10240x128xf32>
    %swap3A = arith.constant 0 : index
    %swap3A_18 = arith.constant 0 : index
    %swap3A_19 = vector.load %arg4[%swap3A, %swap3A_18] : memref<10240x128xf32, #tpu.memory_space<vmem>>, vector<10240x128xf32>
    tpu.vector_store %arg4[%swap3A, %swap3A_18], %mul3A_17 {strides = array<i32>} : memref<10240x128xf32, #tpu.memory_space<vmem>>, vector<10240x128xf32>,
    return
  }
  func.func @transform_0(%arg0: i32) -> (i32, i32) {
    %c0_i32 = arith.constant 0 : i32
    %c0_i32_0 = arith.constant 0 : i32
    return %arg0, %c0_i32 : i32, i32
  }
  func.func @transform_1(%arg0: i32) -> (i32, i32) {
    %c0_i32 = arith.constant 0 : i32
    %c0_i32_0 = arith.constant 0 : i32
    %c0_i32_1 = arith.constant 0 : i32
    return %c0_i32, %c0_i32_0 : i32, i32
  }
  func.func @transform_2(%arg0: i32) -> (i32, i32) {
    %c0_i32 = arith.constant 0 : i32
    %c0_i32_0 = arith.constant 0 : i32
    return %c0_i32, %arg0 : i32, i32
  }
  func.func @transform_3(%arg0: i32) -> (i32, i32) {
    %c0_i32 = arith.constant 0 : i32
    %c0_i32_0 = arith.constant 0 : i32
    return %arg0, %c0_i32 : i32, i32
  }
}

module attributes {stable_mosaic.version = 14 : i64} {
  func.func @_tc_fin_body(%arg0: i32, %arg1: memref<2x10240x128xf32, #tpu.memory_space<vmem>>, %arg2: memref<10240x128xf32, #tpu.memory_space<vmem>>, %arg3: memref<2x10240xf32, #tpu.memory_space<vmem>>, %arg4: memref<1x128xf32, #tpu.memory_space<vmem>>, %arg5: memref<10240x128xf32, #tpu.memory_space<vmem>>, %arg6: memref<1x128xf32, #tpu.memory_space<vmem>>, %arg7: memref<1x128xf32, #tpu.memory_space<vmem>>, %arg8: memref<1x128xf32, #tpu.memory_space<vmem>>, %arg9: memref<10240x128xf32, #tpu.memory_space<vmem>>, %arg10: memref<1x10240x128xf32, #tpu.memory_space<vmem>>, %arg11: memref<1x128xf32, #tpu.memory_space<vmem>>, %arg12: memref<1x128xf32, #tpu.memory_space<vmem>>) attributes {dimension_semantics = [#tpu.dimension_semantics<arbitrary>], iteration_bounds = array<i64: 2>, scalar_prefetch = 0 : i64, scratch_operands = 3 : i64, tpu.core_type = #tpu.core_type<tc>, window_params = [{transform_indices = @transform_0, window_bounds = array<i64: 2, 10240, 128>}, {transform_indices = @transform_1, window_bounds = array<i64: 10240, 128>}, {transform_indices = @transform_2, window_bounds = array<i64: 2, 10240>}, {pipeline_mode = #tpu.pipeline_mode<synchronous>, transform_indices = @transform_3, window_bounds = array<i64: 1, 128>}, {transform_indices = @transform_4, window_bounds = array<i64: 10240, 128>}, {pipeline_mode = #tpu.pipeline_mode<synchronous>, transform_indices = @transform_5, window_bounds = array<i64: 1, 128>}, {pipeline_mode = #tpu.pipeline_mode<synchronous>, transform_indices = @transform_6, window_bounds = array<i64: 1, 128>}, {pipeline_mode = #tpu.pipeline_mode<synchronous>, transform_indices = @transform_7, window_bounds = array<i64: 1, 128>}, {transform_indices = @transform_8, window_bounds = array<i64: 10240, 128>}]} {
    %rem3A = arith.constant 1 : i32
    %rem3A_0 = arith.remsi %arg0, %rem3A : i32
    %eq3A = arith.constant 0 : i32
    %eq3A_1 = arith.cmpi eq, %arg0, %eq3A : i32
    %convert_element_type3A = arith.extui %eq3A_1 : i1 to i32
    %cond3A = arith.constant 0 : i32
    %cond3A_2 = arith.cmpi ne, %convert_element_type3A, %cond3A : i32
    scf.if %cond3A_2 {
      %broadcast_in_dim3A = arith.constant 0.000000e+00 : f32
      %broadcast_in_dim3A_11 = vector.broadcast %broadcast_in_dim3A : f32 to vector<1x128xf32>
      %swap3A = arith.constant 0 : index
      %swap3A_12 = arith.constant 0 : index
      %swap3A_13 = vector.load %arg11[%swap3A, %swap3A_12] : memref<1x128xf32, #tpu.memory_space<vmem>>, vector<1x128xf32>
      tpu.vector_store %arg11[%swap3A, %swap3A_12], %broadcast_in_dim3A_11 {strides = array<i32>} : memref<1x128xf32, #tpu.memory_space<vmem>>, vector<1x128xf32>,
      %broadcast_in_dim3A_14 = arith.constant 0.000000e+00 : f32
      %broadcast_in_dim3A_15 = vector.broadcast %broadcast_in_dim3A_14 : f32 to vector<1x128xf32>
      %swap3A_16 = arith.constant 0 : index
      %swap3A_17 = arith.constant 0 : index
      %swap3A_18 = vector.load %arg12[%swap3A_16, %swap3A_17] : memref<1x128xf32, #tpu.memory_space<vmem>>, vector<1x128xf32>
      tpu.vector_store %arg12[%swap3A_16, %swap3A_17], %broadcast_in_dim3A_15 {strides = array<i32>} : memref<1x128xf32, #tpu.memory_space<vmem>>, vector<1x128xf32>,
    } else {
    }
    %lt3A = arith.constant 1 : i32
    %lt3A_3 = arith.cmpi slt, %arg0, %lt3A : i32
    %convert_element_type3A_4 = arith.extui %lt3A_3 : i1 to i32
    %cond3A_5 = arith.constant 0 : i32
    %cond3A_6 = arith.cmpi ne, %convert_element_type3A_4, %cond3A_5 : i32
    scf.if %cond3A_6 {
      %get3A = arith.constant 0 : index
      %get3A_11 = arith.constant 0 : index
      %get3A_12 = vector.load %arg3[%get3A, %get3A_11] : memref<2x10240xf32, #tpu.memory_space<vmem>>, vector<1x10240xf32>
      %get3A_13 = vector.shape_cast %get3A_12 : vector<1x10240xf32> to vector<10240xf32>
      %get3A_14 = arith.constant 1 : index
      %get3A_15 = arith.constant 0 : index
      %get3A_16 = vector.load %arg3[%get3A_14, %get3A_15] : memref<2x10240xf32, #tpu.memory_space<vmem>>, vector<1x10240xf32>
      %get3A_17 = vector.shape_cast %get3A_16 : vector<1x10240xf32> to vector<10240xf32>
      %add3A = arith.addf %get3A_13, %get3A_17 : vector<10240xf32>
      %add3A_18 = arith.constant 1.000000e+00 : f32
      %add3A_19 = vector.broadcast %add3A_18 : f32 to vector<10240xf32>
      %add3A_20 = arith.addf %add3A, %add3A_19 : vector<10240xf32>
      %rsqrt3A = math.rsqrt %add3A_20 : vector<10240xf32>
      %broadcast_in_dim3A = vector.shape_cast %rsqrt3A : vector<10240xf32> to vector<10240x1xf32>
      %get3A_21 = arith.constant 0 : index
      %get3A_22 = arith.constant 0 : index
      %get3A_23 = arith.constant 0 : index
      %get3A_24 = vector.load %arg1[%get3A_21, %get3A_22, %get3A_23] : memref<2x10240x128xf32, #tpu.memory_space<vmem>>, vector<1x10240x128xf32>
      %get3A_25 = vector.shape_cast %get3A_24 : vector<1x10240x128xf32> to vector<10240x128xf32>
      %get3A_26 = arith.constant 1 : index
      %get3A_27 = arith.constant 0 : index
      %get3A_28 = arith.constant 0 : index
      %get3A_29 = vector.load %arg1[%get3A_26, %get3A_27, %get3A_28] : memref<2x10240x128xf32, #tpu.memory_space<vmem>>, vector<1x10240x128xf32>
      %get3A_30 = vector.shape_cast %get3A_29 : vector<1x10240x128xf32> to vector<10240x128xf32>
      %add3A_31 = arith.addf %get3A_25, %get3A_30 : vector<10240x128xf32>
      %get3A_32 = arith.constant 0 : index
      %get3A_33 = arith.constant 0 : index
      %get3A_34 = vector.load %arg2[%get3A_32, %get3A_33] : memref<10240x128xf32, #tpu.memory_space<vmem>>, vector<10240x128xf32>
      %add3A_35 = arith.addf %add3A_31, %get3A_34 : vector<10240x128xf32>
      %mul3A = vector.broadcast %broadcast_in_dim3A : vector<10240x1xf32> to vector<10240x128xf32>
      %mul3A_36 = arith.mulf %mul3A, %add3A_35 : vector<10240x128xf32>
      %get3A_37 = arith.constant 0 : index
      %get3A_38 = arith.constant 0 : index
      %get3A_39 = vector.load %arg4[%get3A_37, %get3A_38] : memref<1x128xf32, #tpu.memory_space<vmem>>, vector<1x128xf32>
      %add3A_40 = vector.broadcast %get3A_39 : vector<1x128xf32> to vector<10240x128xf32>
      %add3A_41 = arith.addf %mul3A_36, %add3A_40 : vector<10240x128xf32>
      %mul3A_42 = arith.constant 10240 : i32
      %mul3A_43 = arith.muli %rem3A_0, %mul3A_42 : i32
      %iota3A = tpu.iota {dimensions = array<i32: 0>} : vector<10240x128xi32>
      %add3A_44 = vector.broadcast %mul3A_43 : i32 to vector<10240x128xi32>
      %add3A_45 = arith.addi %add3A_44, %iota3A : vector<10240x128xi32>
      %lt3A_46 = arith.constant 10000 : i32
      %lt3A_47 = vector.broadcast %lt3A_46 : i32 to vector<10240x128xi32>
      %lt3A_48 = arith.cmpi slt, %add3A_45, %lt3A_47 : vector<10240x128xi32>
      %jit3A = arith.constant 0.000000e+00 : f32
      %broadcast_in_dim3A_49 = vector.broadcast %jit3A : f32 to vector<10240x128xf32>
      %select_n3A = arith.select %lt3A_48, %add3A_41, %broadcast_in_dim3A_49 : vector<10240x128xi1>, vector<10240x128xf32>
      %swap3A = arith.index_cast %rem3A_0 : i32 to index
      %swap3A_50 = arith.constant 0 : index
      %swap3A_51 = arith.constant 0 : index
      %swap3A_52 = vector.load %arg10[%swap3A, %swap3A_50, %swap3A_51] : memref<1x10240x128xf32, #tpu.memory_space<vmem>>, vector<1x10240x128xf32>
      %swap3A_53 = vector.shape_cast %swap3A_52 : vector<1x10240x128xf32> to vector<10240x128xf32>
      %swap3A_54 = vector.shape_cast %add3A_41 : vector<10240x128xf32> to vector<1x10240x128xf32>
      tpu.vector_store %arg10[%swap3A, %swap3A_50, %swap3A_51], %swap3A_54 {strides = array<i32>} : memref<1x10240x128xf32, #tpu.memory_space<vmem>>, vector<1x10240x128xf32>,
      %get3A_55 = arith.constant 0 : index
      %get3A_56 = arith.constant 0 : index
      %get3A_57 = vector.load %arg11[%get3A_55, %get3A_56] : memref<1x128xf32, #tpu.memory_space<vmem>>, vector<1x128xf32>
      %reduce_sum3A = arith.constant dense<0.000000e+00> : vector<128xf32>
      %reduce_sum3A_58 = vector.multi_reduction <add>, %select_n3A, %reduce_sum3A [0] : vector<10240x128xf32> to vector<128xf32>
      %broadcast_in_dim3A_59 = vector.shape_cast %reduce_sum3A_58 : vector<128xf32> to vector<1x128xf32>
      %add3A_60 = arith.addf %get3A_57, %broadcast_in_dim3A_59 : vector<1x128xf32>
      %swap3A_61 = arith.constant 0 : index
      %swap3A_62 = arith.constant 0 : index
      %swap3A_63 = vector.load %arg11[%swap3A_61, %swap3A_62] : memref<1x128xf32, #tpu.memory_space<vmem>>, vector<1x128xf32>
      tpu.vector_store %arg11[%swap3A_61, %swap3A_62], %add3A_60 {strides = array<i32>} : memref<1x128xf32, #tpu.memory_space<vmem>>, vector<1x128xf32>,
      %get3A_64 = arith.constant 0 : index
      %get3A_65 = arith.constant 0 : index
      %get3A_66 = vector.load %arg12[%get3A_64, %get3A_65] : memref<1x128xf32, #tpu.memory_space<vmem>>, vector<1x128xf32>
      %mul3A_67 = arith.mulf %select_n3A, %select_n3A : vector<10240x128xf32>
      %reduce_sum3A_68 = arith.constant dense<0.000000e+00> : vector<128xf32>
      %reduce_sum3A_69 = vector.multi_reduction <add>, %mul3A_67, %reduce_sum3A_68 [0] : vector<10240x128xf32> to vector<128xf32>
      %broadcast_in_dim3A_70 = vector.shape_cast %reduce_sum3A_69 : vector<128xf32> to vector<1x128xf32>
      %add3A_71 = arith.addf %get3A_66, %broadcast_in_dim3A_70 : vector<1x128xf32>
      %swap3A_72 = arith.constant 0 : index
      %swap3A_73 = arith.constant 0 : index
      %swap3A_74 = vector.load %arg12[%swap3A_72, %swap3A_73] : memref<1x128xf32, #tpu.memory_space<vmem>>, vector<1x128xf32>
      tpu.vector_store %arg12[%swap3A_72, %swap3A_73], %add3A_71 {strides = array<i32>} : memref<1x128xf32, #tpu.memory_space<vmem>>, vector<1x128xf32>,
    } else {
    }
    %ge3A = arith.constant 1 : i32
    %ge3A_7 = arith.cmpi sge, %arg0, %ge3A : i32
    %convert_element_type3A_8 = arith.extui %ge3A_7 : i1 to i32
    %cond3A_9 = arith.constant 0 : i32
    %cond3A_10 = arith.cmpi ne, %convert_element_type3A_8, %cond3A_9 : i32
    scf.if %cond3A_10 {
      %get3A = arith.constant 0 : index
      %get3A_11 = arith.constant 0 : index
      %get3A_12 = vector.load %arg11[%get3A, %get3A_11] : memref<1x128xf32, #tpu.memory_space<vmem>>, vector<1x128xf32>
      %get3A_13 = vector.shape_cast %get3A_12 : vector<1x128xf32> to vector<128xf32>
      %mul3A = arith.constant 9.99999974E-5 : f32
      %mul3A_14 = vector.broadcast %mul3A : f32 to vector<128xf32>
      %mul3A_15 = arith.mulf %get3A_13, %mul3A_14 : vector<128xf32>
      %get3A_16 = arith.constant 0 : index
      %get3A_17 = arith.constant 0 : index
      %get3A_18 = vector.load %arg12[%get3A_16, %get3A_17] : memref<1x128xf32, #tpu.memory_space<vmem>>, vector<1x128xf32>
      %get3A_19 = vector.shape_cast %get3A_18 : vector<1x128xf32> to vector<128xf32>
      %mul3A_20 = arith.constant 9.99999974E-5 : f32
      %mul3A_21 = vector.broadcast %mul3A_20 : f32 to vector<128xf32>
      %mul3A_22 = arith.mulf %get3A_19, %mul3A_21 : vector<128xf32>
      %get3A_23 = arith.constant 0 : index
      %get3A_24 = arith.constant 0 : index
      %get3A_25 = vector.load %arg8[%get3A_23, %get3A_24] : memref<1x128xf32, #tpu.memory_space<vmem>>, vector<1x128xf32>
      %get3A_26 = vector.shape_cast %get3A_25 : vector<1x128xf32> to vector<128xf32>
      %mul3A_27 = arith.mulf %mul3A_15, %get3A_26 : vector<128xf32>
      %mul3A_28 = arith.constant 2.000000e+00 : f32
      %mul3A_29 = vector.broadcast %mul3A_28 : f32 to vector<128xf32>
      %mul3A_30 = arith.mulf %mul3A_29, %mul3A_27 : vector<128xf32>
      %mul3A_31 = arith.mulf %mul3A_30, %mul3A_15 : vector<128xf32>
      %sub3A = arith.subf %mul3A_22, %mul3A_31 : vector<128xf32>
      %mul3A_32 = arith.mulf %mul3A_27, %mul3A_27 : vector<128xf32>
      %add3A = arith.addf %sub3A, %mul3A_32 : vector<128xf32>
      %get3A_33 = arith.constant 0 : index
      %get3A_34 = arith.constant 0 : index
      %get3A_35 = vector.load %arg6[%get3A_33, %get3A_34] : memref<1x128xf32, #tpu.memory_space<vmem>>, vector<1x128xf32>
      %get3A_36 = vector.shape_cast %get3A_35 : vector<1x128xf32> to vector<128xf32>
      %add3A_37 = arith.constant 9.99999974E-6 : f32
      %add3A_38 = vector.broadcast %add3A_37 : f32 to vector<128xf32>
      %add3A_39 = arith.addf %add3A, %add3A_38 : vector<128xf32>
      %rsqrt3A = math.rsqrt %add3A_39 : vector<128xf32>
      %mul3A_40 = arith.mulf %get3A_36, %rsqrt3A : vector<128xf32>
      %get3A_41 = arith.index_cast %rem3A_0 : i32 to index
      %get3A_42 = arith.constant 0 : index
      %get3A_43 = arith.constant 0 : index
      %get3A_44 = vector.load %arg10[%get3A_41, %get3A_42, %get3A_43] : memref<1x10240x128xf32, #tpu.memory_space<vmem>>, vector<1x10240x128xf32>
      %get3A_45 = vector.shape_cast %get3A_44 : vector<1x10240x128xf32> to vector<10240x128xf32>
      %broadcast_in_dim3A = vector.shape_cast %mul3A_27 : vector<128xf32> to vector<1x128xf32>
      %sub3A_46 = vector.broadcast %broadcast_in_dim3A : vector<1x128xf32> to vector<10240x128xf32>
      %sub3A_47 = arith.subf %get3A_45, %sub3A_46 : vector<10240x128xf32>
      %broadcast_in_dim3A_48 = vector.shape_cast %mul3A_40 : vector<128xf32> to vector<1x128xf32>
      %mul3A_49 = vector.broadcast %broadcast_in_dim3A_48 : vector<1x128xf32> to vector<10240x128xf32>
      %mul3A_50 = arith.mulf %sub3A_47, %mul3A_49 : vector<10240x128xf32>
      %get3A_51 = arith.constant 0 : index
      %get3A_52 = arith.constant 0 : index
      %get3A_53 = vector.load %arg7[%get3A_51, %get3A_52] : memref<1x128xf32, #tpu.memory_space<vmem>>, vector<1x128xf32>
      %get3A_54 = vector.shape_cast %get3A_53 : vector<1x128xf32> to vector<128xf32>
      %broadcast_in_dim3A_55 = vector.shape_cast %get3A_54 : vector<128xf32> to vector<1x128xf32>
      %add3A_56 = vector.broadcast %broadcast_in_dim3A_55 : vector<1x128xf32> to vector<10240x128xf32>
      %add3A_57 = arith.addf %mul3A_50, %add3A_56 : vector<10240x128xf32>
      %max3A = arith.constant 0.000000e+00 : f32
      %max3A_58 = vector.broadcast %max3A : f32 to vector<10240x128xf32>
      %max3A_59 = arith.maximumf %add3A_57, %max3A_58 : vector<10240x128xf32>
      %get3A_60 = arith.constant 0 : index
      %get3A_61 = arith.constant 0 : index
      %get3A_62 = vector.load %arg5[%get3A_60, %get3A_61] : memref<10240x128xf32, #tpu.memory_space<vmem>>, vector<10240x128xf32>
      %add3A_63 = arith.addf %max3A_59, %get3A_62 : vector<10240x128xf32>
      %swap3A = arith.constant 0 : index
      %swap3A_64 = arith.constant 0 : index
      %swap3A_65 = vector.load %arg9[%swap3A, %swap3A_64] : memref<10240x128xf32, #tpu.memory_space<vmem>>, vector<10240x128xf32>
      tpu.vector_store %arg9[%swap3A, %swap3A_64], %add3A_63 {strides = array<i32>} : memref<10240x128xf32, #tpu.memory_space<vmem>>, vector<10240x128xf32>,
    } else {
    }
    return
  }
  func.func @transform_0(%arg0: i32) -> (i32, i32, i32) {
    %min3A = arith.constant 0 : i32
    %min3A_0 = arith.minsi %arg0, %min3A : i32
    %c0_i32 = arith.constant 0 : i32
    %c0_i32_1 = arith.constant 0 : i32
    %c0_i32_2 = arith.constant 0 : i32
    return %c0_i32, %min3A_0, %c0_i32_1 : i32, i32, i32
  }
  func.func @transform_1(%arg0: i32) -> (i32, i32) {
    %min3A = arith.constant 0 : i32
    %min3A_0 = arith.minsi %arg0, %min3A : i32
    %c0_i32 = arith.constant 0 : i32
    %c0_i32_1 = arith.constant 0 : i32
    return %min3A_0, %c0_i32 : i32, i32
  }
  func.func @transform_2(%arg0: i32) -> (i32, i32) {
    %min3A = arith.constant 0 : i32
    %min3A_0 = arith.minsi %arg0, %min3A : i32
    %c0_i32 = arith.constant 0 : i32
    %c0_i32_1 = arith.constant 0 : i32
    return %c0_i32, %min3A_0 : i32, i32
  }
  func.func @transform_3(%arg0: i32) -> (i32, i32) {
    %c0_i32 = arith.constant 0 : i32
    %c0_i32_0 = arith.constant 0 : i32
    %c0_i32_1 = arith.constant 0 : i32
    return %c0_i32, %c0_i32_0 : i32, i32
  }
  func.func @transform_4(%arg0: i32) -> (i32, i32) {
    %sub3A = arith.constant 1 : i32
    %sub3A_0 = arith.subi %arg0, %sub3A : i32
    %max3A = arith.constant 0 : i32
    %max3A_1 = arith.maxsi %sub3A_0, %max3A : i32
    %c0_i32 = arith.constant 0 : i32
    %c0_i32_2 = arith.constant 0 : i32
    return %max3A_1, %c0_i32 : i32, i32
  }
  func.func @transform_5(%arg0: i32) -> (i32, i32) {
    %c0_i32 = arith.constant 0 : i32
    %c0_i32_0 = arith.constant 0 : i32
    %c0_i32_1 = arith.constant 0 : i32
    return %c0_i32, %c0_i32_0 : i32, i32
  }
  func.func @transform_6(%arg0: i32) -> (i32, i32) {
    %c0_i32 = arith.constant 0 : i32
    %c0_i32_0 = arith.constant 0 : i32
    %c0_i32_1 = arith.constant 0 : i32
    return %c0_i32, %c0_i32_0 : i32, i32
  }
  func.func @transform_7(%arg0: i32) -> (i32, i32) {
    %c0_i32 = arith.constant 0 : i32
    %c0_i32_0 = arith.constant 0 : i32
    %c0_i32_1 = arith.constant 0 : i32
    return %c0_i32, %c0_i32_0 : i32, i32
  }
  func.func @transform_8(%arg0: i32) -> (i32, i32) {
    %sub3A = arith.constant 1 : i32
    %sub3A_0 = arith.subi %arg0, %sub3A : i32
    %max3A = arith.constant 0 : i32
    %max3A_1 = arith.maxsi %sub3A_0, %max3A : i32
    %c0_i32 = arith.constant 0 : i32
    %c0_i32_2 = arith.constant 0 : i32
    return %max3A_1, %c0_i32 : i32, i32
  }
}

</mosaic_0001>

<sc_bundles>
// kernel: kernel.6.cloned.1.call-start
scs
__scs_entry_jumppad:
0x0: {  	(pc) =	sbr.rel $0x88, $3  }
0x1: {  	(tag) =	ssettag $0x0;
	lr =	simm.s32 $0x1  }
0x2: {  	[smem:$0x3F9A] =	sst lr;
	_ =	strace $0xD0000000  }
0x3: {  	_ = 	snop  }
0x4: {  	_ = 	snop  }
0x5: {  	_ = 	snop  }
0x6: {  	_ = 	snop  }
0x7: {  	_ = 	snop  }
__scs_overlays_trampoline_lowered:
0x8: {  	[smem:$0x3FA9] =	sst s0  }
0x9: {  	[smem:$0x3FAA] =	sst s1  }
0xa: {  	[smem:$0x3FAB] =	sst s2  }
0xb: {  	[smem:$0x3FAC] =	sst s3  }
0xc: {  	[smem:$0x3FAD] =	sst s4  }
0xd: {  	[smem:$0x3FAE] =	sst s5  }
0xe: {  	[smem:$0x3FAF] =	sst s6  }
0xf: {  	[smem:$0x3FB0] =	sst s7  }
0x10: {  	[smem:$0x3FB1] =	sst s8  }
0x11: {  	[smem:$0x3FB2] =	sst s9;
	s0 =	simm.s32 @!p0 $0x0  }
0x12: {  	s1 =	sld [smem:$0x3F98];
	s0 =	simm.s32 @p0 $0x1  }
0x13: {  	[smem:$0x3FB3] =	sst s0;
	s0 =	simm.s32 @!p1 $0x0  }
0x14: {  	s2 =	sld [smem:$0x3F97];
	s0 =	simm.s32 @p1 $0x1  }
0x15: {  	[smem:$0x3FB4] =	sst s0;
	s0 =	simm.s32 @!p2 $0x0  }
0x16: {  	s3 =	sld [smem:$0x3FDB];
	s0 =	simm.s32 @p2 $0x1  }
0x17: {  	s4 =	simm.s32 $0x1BF5;
	[smem:$0x3FB6] =	sst s0  }
0x18: {  	s0 =	sld [smem:$0x3F99];
	_ =	swait.ge [sflag:s4], $0x0  }
0x19: {  	s7 =	sld [smem:$0x3F9A]  }
0x1a: {  	s8 =	sadd.s32 $0xFFFFE003, lr  }
0x1b: {  	s9 =	sadd.s32 $0xFFFFFEF7, lr;
	s5 =	simm.s32 $0xFFFFFFFF;
	p2 =	slt.u32 s8, $0xFFFFF086  }
0x1c: {  	p1 =	slt.u32 s9, $0xF7A;
	s5 =	simm.s32 @!p2 $0x0  }
0x1d: {  	s5 =	simm.s32 @p1 $0x1;
	p0 =	seq.s32 s7, s2  }
0x1e: {  	s7 =	smul.u32 @!p0 $0xF7A, s2;
	p2 =	seq.s32 @!p0 s5, $0x0  }
0x1f: {  	s9 =	smul.u32 $0xF7A, s1;
	s8 =	simm.s32 @!p0 $0x1BF5;
	p2 =	por !p2, p0  }
0x20: {  	[sflag:s8] =	ssyncset.s32 @!p0 $0xFFFFF086;
	s6 =	sadd.s32 @!p0 s3, s7;
	s7 =	simm.s32 @!p0 $0x108  }
0x21: {  	s3 =	sadd.s32 s3, s9;
	s6 =	sadd.s32 @!p0 $0x88, s6;
	s7 =	simm.s32 @p2 $0x1082  }
0x22: {  	[simem:s7], [sflag:s8] =	dma.local @!p0 [hbm:s6], $0xF7A  }
0x23: {  	s9 =	sor.u32 $0xD0000000, s2;
	s6 =	simm.s32 $0x108;
	_ =	swait.ge @!p0 [sflag:s8], $0x0  }
0x24: {  	s3 =	sadd.s32 $0x88, s3;
	s6 =	simm.s32 @!p1 $0x1082;
	[sflag:s4] =	ssyncset.s32 $0xFFFFF086  }
0x25: {  	[simem:s6], [sflag:s4] =	dma.local [hbm:s3], $0xF7A  }
0x26: {  	[smem:$0x3F9A] =	sst s1;
	(tag) =	ssettag s2;
	_ =	strace s9  }
0x27: {  	s1 =	sld [smem:$0x3FAA]  }
0x28: {  	s2 =	sld [smem:$0x3FAB]  }
0x29: {  	s4 =	sld [smem:$0x3FAD]  }
0x2a: {  	p0 =	seq.s32 s5, $0x0;
	s5 =	sld [smem:$0x3FAE]  }
0x2b: {  	s6 =	sld [smem:$0x3FAF]  }
0x2c: {  	s7 =	sld [smem:$0x3FB0]  }
0x2d: {  	s3 =	simm.s32 $0x108;
	s8 =	sld [smem:$0x3FB1]  }
0x2e: {  	s3 =	simm.s32 @!p0 $0x1082;
	s9 =	sld [smem:$0x3FB2]  }
0x2f: {  	lr =	sadd.s32 s0, s3;
	s0 =	sld [smem:$0x3FA9]  }
0x30: {  	s3 =	sld [smem:$0x3FAC]  }
0x31: {  	[smem:$0x3FB5] =	sst s10  }
0x32: {  	s10 =	sld [smem:$0x3FB3];
	_ =	sdelay $0x3  }
0x33: {  	p0 =	seq.s32 s10, $0x1;
	s10 =	sld [smem:$0x3FB5];
	_ =	sdelay $0x3  }
0x34: {  	[smem:$0x3FB5] =	sst s10  }
0x35: {  	s10 =	sld [smem:$0x3FB4];
	_ =	sdelay $0x3  }
0x36: {  	p1 =	seq.s32 s10, $0x1;
	s10 =	sld [smem:$0x3FB5];
	_ =	sdelay $0x3  }
0x37: {  	[smem:$0x3FB5] =	sst s10  }
0x38: {  	s10 =	sld [smem:$0x3FB6]  }
0x39: {  	_ = 	snop;
	(pc) =	sbr.ind lr, $3  }
0x3a: {  	_ = 	snop  }
0x3b: {  	_ = 	snop  }
0x3c: {  	p2 =	seq.s32 s10, $0x1;
	s10 =	sld [smem:$0x3FB5]  }
0x3d: {  	_ =	shalt  }
0x3e: {  	_ =	shalt  }
0x3f: {  	_ =	shalt  }
0x40: {  	_ =	shalt  }
0x41: {  	_ =	shalt  }
0x42: {  	_ =	shalt  }
0x43: {  	_ =	shalt  }
0x44: {  	_ =	shalt  }
0x45: {  	_ =	shalt  }
0x46: {  	_ =	shalt  }
0x47: {  	_ =	shalt  }
0x48: {  	_ =	shalt  }
0x49: {  	_ =	shalt  }
0x4a: {  	_ =	shalt  }
0x4b: {  	_ =	shalt  }
0x4c: {  	_ =	shalt  }
0x4d: {  	_ =	shalt  }
0x4e: {  	_ =	shalt  }
0x4f: {  	_ =	shalt  }
0x50: {  	_ =	shalt  }
0x51: {  	_ =	shalt  }
0x52: {  	_ =	shalt  }
0x53: {  	_ =	shalt  }
0x54: {  	_ =	shalt  }
0x55: {  	_ =	shalt  }
0x56: {  	_ =	shalt  }
0x57: {  	_ =	shalt  }
0x58: {  	_ =	shalt  }
0x59: {  	_ =	shalt  }
0x5a: {  	_ =	shalt  }
0x5b: {  	_ =	shalt  }
0x5c: {  	_ =	shalt  }
0x5d: {  	_ =	shalt  }
0x5e: {  	_ =	shalt  }
0x5f: {  	_ =	shalt  }
0x60: {  	_ =	shalt  }
0x61: {  	_ =	shalt  }
0x62: {  	_ =	shalt  }
0x63: {  	_ =	shalt  }
0x64: {  	_ =	shalt  }
0x65: {  	_ =	shalt  }
0x66: {  	_ =	shalt  }
0x67: {  	_ =	shalt  }
0x68: {  	_ =	shalt  }
0x69: {  	_ =	shalt  }
0x6a: {  	_ =	shalt  }
0x6b: {  	_ =	shalt  }
0x6c: {  	_ =	shalt  }
0x6d: {  	_ =	shalt  }
0x6e: {  	_ =	shalt  }
0x6f: {  	_ =	shalt  }
0x70: {  	_ =	shalt  }
0x71: {  	_ =	shalt  }
0x72: {  	_ =	shalt  }
0x73: {  	_ =	shalt  }
0x74: {  	_ =	shalt  }
0x75: {  	_ =	shalt  }
0x76: {  	_ =	shalt  }
0x77: {  	_ =	shalt  }
0x78: {  	_ =	shalt  }
0x79: {  	_ =	shalt  }
0x7a: {  	_ =	shalt  }
0x7b: {  	_ =	shalt  }
0x7c: {  	_ =	shalt  }
0x7d: {  	_ =	shalt  }
0x7e: {  	_ =	shalt  }
0x7f: {  	_ =	shalt  }
0x80: {  	_ =	shalt  }
0x81: {  	_ =	shalt  }
0x82: {  	_ =	shalt  }
0x83: {  	_ =	shalt  }
0x84: {  	_ =	shalt  }
0x85: {  	_ =	shalt  }
0x86: {  	_ =	shalt  }
0x87: {  	_ =	shalt  }
.Lfunc_end0:
.L_simem_size_0:
called_computation_lowered:
.L_overlay_start_0:
0x88: {  	s2 =	sld [smem:$0x3FD9]  }
0x89: {  	s3 =	sld [smem:$0x3FFE];
	_ =	sdelay $0x1  }
0x8a: {  	s1 =	srdreg.scid  }
0x8b: {  	s0 =	sand.u32 $0x1, s1  }
0x8c: {  	s17 =	sshll.u32 s0, $0xA;
	s2 =	sadd.s32 s3, s2  }
0x8d: {  	s2 =	sadd.s32 s2, s17  }
0x8e: {  	[smem:$0x3FC1] =	sst s2  }
0x8f: {  	_ = 	snop  }
0x90: {  	s2 =	sld [smem:$0x3FD0];
	(tm) =	ssettm $0x1  }
0x91: {  	s18 =	sld [smem:$0x3FFB];
	_ =	sdelay $0x3  }
0x92: {  	_ =	strace s18  }
0x93: {  	s3 =	sld [smem:$0x3FFC];
	_ =	sdelay $0x3  }
0x94: {  	_ =	strace s3  }
0x95: {  	s3 =	sld [smem:$0x3FFD];
	_ =	sdelay $0x3  }
0x96: {  	_ =	strace s3  }
0x97: {  	_ =	strace $0x8FFFFFFF  }
0x98: {  	s19 =	sld [smem:$0x3FDB];
	_ =	sdelay $0x1  }
0x99: {  	s4 =	simm.s32 $_scs_section_size  }
0x9a: {  	s5 =	simm.s32 $_size__tile_overlayer_lowered;
	s6 =	simm.s32 $_tile_overlayer_lowered  }
0x9b: {  	s22 =	simm.s32 $0x1BFF;
	s21 =	sshll.u32 s6, $0x1;
	s3 =	sadd.s32 s4, s19  }
0x9c: {  	s7 =	simm.s32 $0x0;
	s20 =	sshll.u32 s5, $0x1;
	s5 =	sadd.s32 s21, s3  }
0x9d: {  	[timem:s7], [sflag:s22] =	dma.local [hbm:s5], s20  }
0x9e: {  	_ =	swait.ge [sflag:s22], s20  }
0x9f: {  	s4 =	ssub.s32 $0x0, s20;
	[sflag:s22] =	ssyncset.done $0x0  }
0xa0: {  	[sflag:s22] =	ssyncadd.s32 s4;
	_ =	sdelay $0x1  }
0xa1: {  	s23 =	simm.s32 $0x1B8B  }
0xa2: {  	_ =	swait.ge [sflag:s23], $0x1  }
0xa3: {  	[sflag:s23] =	ssyncset.done $0x0  }
0xa4: {  	s25 =	simm.s32 $0x1B8E;
	s24 =	sld [smem:$0x3FFE];
	[sflag:s23] =	ssyncadd.s32 $0xFFFFFFFF  }
0xa5: {  	s26 =	simm.s32 $execute0_lowered;
	[smem:$0x3FD2] =	sst s25  }
0xa6: {  	s5 =	sshll.u32 s26, $0x1;
	_ =	strace $0x80000046;
	[dreg:$0x1] =	wrdreg $0xFFFFFFFF  }
0xa7: {  	s28 =	simm.s32 $_size_execute0_lowered;
	s3 =	sadd.s32 s3, s5;
	[dreg:$0x0] =	wrdreg $0x0  }
0xa8: {  	s5 =	sshll.u32 s28, $0x1;
	[dreg:$0x2] =	wrdreg s3  }
0xa9: {  	[dreg:$0x3] =	wrdreg s5  }
0xaa: {  	[dreg:$0x4] =	wrdreg $0xC0  }
0xab: {  	_ =	task [dreg:s7], $0x5FFFF  }
0xac: {  	[dreg:$0x1] =	wrdreg $0xFFFFFFFF  }
0xad: {  	[dreg:$0x0] =	wrdreg $0x60  }
0xae: {  	[dreg:$0x2] =	wrdreg s24  }
0xaf: {  	[dreg:$0x3] =	wrdreg s2  }
0xb0: {  	[dreg:$0x4] =	wrdreg $0x34800  }
0xb1: {  	[dreg:$0x5] =	wrdreg $0x9  }
0xb2: {  	_ =	task.clear_ibuf [dreg:s7], $0x6FFFF;
	_ =	strace $0x90000046  }
0xb3: {  	s29 =	simm.s32 $0x9;
	_ =	strace $0x80000048  }
0xb4: {  	_ =	swait.ge [sflag:s29], $0x1  }
0xb5: {  	[sflag:s29] =	ssyncadd.s32 $0xFFFFFFFF  }
0xb6: {  	_ =	strace $0x90000048  }
0xb7: {  	_ =	sfence  }
0xb8: {  	s30 =	sld [smem:$0x0];
	_ =	sdelay $0x2  }
0xb9: {  	s31 =	sshll.u32 s1, $0xD;
	s1 =	sshrl.u32 s1, $0x2  }
0xba: {  	s3 =	sand.u32 $0x4000, s31;
	s1 =	sadd.s32 s1, s30  }
0xbb: {  	s0 =	sor.u32 s3, s0;
	s1 =	sshll.u32 s1, $0x11  }
0xbc: {  	s0 =	sor.u32 s1, s0  }
0xbd: {  	s0 =	sadd.s32 $0x8F2B, s0  }
0xbe: {  	[sflag:s0] =	ssyncadd.remote.s32 $0x1  }
0xbf: {  	_ =	sfence.sel $0xFFFF  }
0xc0: {  	[dreg:$0x0] =	wrdreg $0xFFFFFFFF;
	(pc) =	sbr.abs _section_cstart, $3  }
0xc1: {  	[dreg:$0x1] =	wrdreg $0xFFFFFFFF  }
0xc2: {  	_ =	task.clear_ibuf [dreg:s7], $0x2FFFF;
	_ =	strace $0x9FFFFFFF  }
0xc3: {  	(tm) =	ssettm $0x7FFFFFFF  }
tec
execute0_lowered:
.L_overlay_start_1:
0x0: {  	(tag) =	ssettag $0x1  }
0x1: {  	s6 =	rddreg [dreg:$0x0]  }
0x2: {  	s7 =	rddreg [dreg:$0x1]  }
0x3: {  	s1 =	rddreg [dreg:$0x2]  }
0x4: {  	s2 =	srdreg.scid;
	s0 =	rddreg [dreg:$0x3]  }
0x5: {  	s3 =	simm.s32 $0x0;
	s14 =	simm.s32 $0x2;
	s15 =	simm.s32 $0x1  }
0x6: {  	s16 =	simm.s32 $0x20;
	s17 =	simm.s32 $0x10;
	s18 =	simm.s32 $0x0  }
0x7: {  	s8 =	sand.u32 $0x1, s2;
	s2 =	stileid.u32;
	[smem:$0x7FF] =	sst s3  }
0x8: {  	s4 =	sshll.u32 s8, $0x4;
	_ =	strace $0x80000047;
	s11 =	smul.u32 $0x500, s2  }
0x9: {  	s10 =	ssub.s32 $0x2, s8;
	s13 =	smul.u32 $0xA00, s2;
	s8 =	sshll.u32 s8, $0x7  }
0xa: {  	s31 =	sshll.u32 s2, $0x6;
	s5 =	sor.u32 s2, s4;
	s4 =	sadd.s32 $0x1C200, s6  }
0xb: {  	s12 =	sshrl.u32 s10, $0x1;
	s9 =	smul.u32 $0x3400, s5;
	s5 =	sadd.s32 $0x1C400, s6  }
0xc: {  	s10 =	ssub.s32 s10, s12;
	s8 =	sor.u32 s8, s11;
	s29 =	sshrl.u32 s13, $0x2  }
0xd: {  	s11 =	sor.u32 $0x1C03, s31;
	s13 =	simm.s32 $0x64;
	s8 =	sshrl.u32 s8, $0x3  }
0xe: {  	s30 =	sadd.s32 s29, s1;
	s9 =	sshrl.u32 s9, $0x3;
	s7 =	sadd.s32 s7, s8  }
0xf: {  	s8 =	smax.u32 s10, $0x1;
	s10 =	simm.s32 $0x3400;
	s6 =	sadd.s32 s6, s9  }
0x10: {  	s12 =	sshrl.u32 s30, $0x3;
	s9 =	simm.s32 $0x3;
	s6 =	sadd.s32 $0xF200, s6  }
.LBB2_1:
0x11: {  	[tilespmem:s3], [sflag:$0x3] =	stream.linear.gather [hbm4b:s6+s3], $0x3200, $0x38;
	[tilespmem:$0x3700] =	vst v63  }
0x12: {  	_ =	swait.ge [sflag:s9], $0x3200  }
0x13: {  	[sflag:s9] =	ssyncset.done $0x0  }
0x14: {  	[sflag:s9] =	ssyncadd.s32 $0xFFFFCE00  }
0x15: {  	[tilespmem:s10], [sflag:$0x3] =	stream.linear.gather [hbm4b:s4+s3], $0x80, $0x38;
	[tilespmem:$0x3700] =	vst v63  }
0x16: {  	_ =	swait.ge [sflag:s9], $0x80  }
0x17: {  	[sflag:s9] =	ssyncset.done $0x0  }
0x18: {  	[sflag:s9] =	ssyncadd.s32 $0xFFFFFF80  }
0x19: {  	[spmem:s12], [sflag:s11] =	dma.local [hbm:s5], $0x50  }
0x1a: {  	_ =	swait.ge [sflag:s9], $0x50  }
0x1b: {  	[sflag:s9] =	ssyncset.done $0x0  }
0x1c: {  	s21 =	simm.s32 $0x0;
	[sflag:s9] =	ssyncadd.s32 $0xFFFFFFB0  }
0x1d: {  	s20 =	sand.u32 $0x1, s15;
	s31 =	sand.u32 $0x1, s21;
	[bflag:$0x0] =	sbarrier.arrive $0xFFFF  }
0x1e: {  	[spmem:s1] =	stream.indirect.scatter.add.f32 [tilespmem:s10], [sflag:$0x1], $0x1, s3, s13, $0xb8;
	[tilespmem:$0x3700] =	vst v63  }
0x1f: {  	s19 =	simm.s32 $0x80;
	s20 =	sadd.s32 $0x1, s20;
	s21 =	sadd.s32 $0x1, s31  }
0x20: {  	[spmem:s1] =	stream.indirect.scatter.add.f32 [tilespmem:s10], [sflag:s20], $0x1, s19, s13, $0xb8;
	[tilespmem:$0x3700] =	vst v63  }
0x21: {  	s20 =	simm.s32 $0x2;
	_ =	swait.ge [sflag:s21], $0x64  }
.LBB2_2:
0x22: {  	s22 =	sand.u32 $0x1, s20;
	[sflag:s21] =	ssyncset.done $0x0  }
0x23: {  	s19 =	sadd.s32 $0x80, s19;
	s23 =	sadd.s32 $0xFFFFFFFF, s20;
	p0 =	sne.s32 s20, $0x63  }
.Ltmp0:
0x24: {  	s22 =	sadd.s32 $0x1, s22;
	[sflag:s21] =	ssyncadd.s32 $0xFFFFFF9C;
	(pc) =	sbr.rel @p0 .LBB2_2-.Ltmp0, $4  }
0x25: {  	[spmem:s1] =	stream.indirect.scatter.add.f32 [tilespmem:s10], [sflag:s22], $0x1, s19, s13, $0xb8;
	[tilespmem:$0x3700] =	vst v63  }
0x26: {  	s20 =	sadd.s32 $0x1, s20;
	s21 =	sand.u32 $0x1, s23  }
0x27: {  	s21 =	sadd.s32 $0x1, s21  }
0x28: {  	_ =	swait.ge [sflag:s21], $0x64  }
0x29: {  	[sflag:s21] =	ssyncset.done $0x0  }
0x2a: {  	[sflag:s21] =	ssyncadd.s32 $0xFFFFFF9C  }
0x2b: {  	_ =	swait.ge [sflag:s14], $0x64  }
0x2c: {  	s18 =	sadd.s32 $0x1, s18;
	[sflag:s14] =	ssyncset.done $0x0  }
0x2d: {  	p0 =	sne.s32 s18, s8;
	[sflag:s14] =	ssyncadd.s32 $0xFFFFFF9C  }
.Ltmp1:
0x2e: {  	[bflag:$0x0] =	sbarrier.arrive $0xFFFF;
	(pc) =	sbr.rel @p0 .LBB2_1-.Ltmp1, $4  }
0x2f: {  	[hbm:s7@s16], [sflag:s11] =	dma.strided [spmem:s12@s17], $0x50, s15, $0x10   }
0x30: {  	_ =	swait.ge [sflag:s9], $0x50  }
0x31: {  	[sflag:s9] =	ssyncset.done $0x0  }
0x32: {  	[sflag:s9] =	ssyncadd.s32 $0xFFFFFFB0  }
0x33: {  	_ =	sfence.sel $0x180000  }
0x34: {  	[bflag:$0x0] =	sbarrier.arrive $0xFFFF  }
0x35: {  	p0 =	sne.s32 s2, $0x0;
	_ =	strace $0x90000047  }
0x36: {  	s0 =	sadd.s32 @!p0 $0x100000, s0;
	[bflag:$0x2] =	sbarrier.arrive $0xFFFF  }
0x37: {  	[sflag:s0] =	ssyncadd.tile.s32 @!p0 $0x1;
	_ =	shalt  }
.Lfunc_end2:
_tile_overlayer_lowered:
.L_overlay_start_2:
0x38: {  	(tag) =	ssettag $0x2  }
0x39: {  	s0 =	rddreg [dreg:$0x0];
	s2 =	stileid.u32  }
0x3a: {  	s1 =	rddreg [dreg:$0x1];
	p0 =	sne.s32 s2, $0x0  }
0x3b: {  	s3 =	rddreg [dreg:$0x2];
	[bflag:$0x3] =	sbarrier.arrive $0xFFFF;
	s2 =	simm.s32 @!p0 $0x1C03  }
0x3c: {  	[timem:s3], [sflag:s2] =	dma.local @!p0 [hbm:s0], s1  }
0x3d: {  	s0 =	simm.s32 @!p0 $0x3  }
0x3e: {  	_ =	swait.ge @!p0 [sflag:s0], s1  }
0x3f: {  	s1 =	ssub.s32 @!p0 $0x0, s1;
	[sflag:s0] =	ssyncset.done @!p0 $0x0  }
0x40: {  	[sflag:s0] =	ssyncadd.s32 @!p0 s1  }
0x41: {  	[bflag:$0x3] =	sbarrier.arrive $0xFFFF  }
0x42: {  	_ =	shalt  }

// kernel: kernel.9.cloned.1.call-start
scs
__scs_entry_jumppad:
0x0: {  	(pc) =	sbr.rel $0x88, $3  }
0x1: {  	(tag) =	ssettag $0x0;
	lr =	simm.s32 $0x1  }
0x2: {  	[smem:$0x3F9A] =	sst lr;
	_ =	strace $0xD0000000  }
0x3: {  	_ = 	snop  }
0x4: {  	_ = 	snop  }
0x5: {  	_ = 	snop  }
0x6: {  	_ = 	snop  }
0x7: {  	_ = 	snop  }
__scs_overlays_trampoline_lowered:
0x8: {  	[smem:$0x3FA9] =	sst s0  }
0x9: {  	[smem:$0x3FAA] =	sst s1  }
0xa: {  	[smem:$0x3FAB] =	sst s2  }
0xb: {  	[smem:$0x3FAC] =	sst s3  }
0xc: {  	[smem:$0x3FAD] =	sst s4  }
0xd: {  	[smem:$0x3FAE] =	sst s5  }
0xe: {  	[smem:$0x3FAF] =	sst s6  }
0xf: {  	[smem:$0x3FB0] =	sst s7  }
0x10: {  	[smem:$0x3FB1] =	sst s8  }
0x11: {  	[smem:$0x3FB2] =	sst s9;
	s0 =	simm.s32 @!p0 $0x0  }
0x12: {  	s1 =	sld [smem:$0x3F98];
	s0 =	simm.s32 @p0 $0x1  }
0x13: {  	[smem:$0x3FB3] =	sst s0;
	s0 =	simm.s32 @!p1 $0x0  }
0x14: {  	s2 =	sld [smem:$0x3F97];
	s0 =	simm.s32 @p1 $0x1  }
0x15: {  	[smem:$0x3FB4] =	sst s0;
	s0 =	simm.s32 @!p2 $0x0  }
0x16: {  	s3 =	sld [smem:$0x3FDB];
	s0 =	simm.s32 @p2 $0x1  }
0x17: {  	s4 =	simm.s32 $0x1BF5;
	[smem:$0x3FB6] =	sst s0  }
0x18: {  	s0 =	sld [smem:$0x3F99];
	_ =	swait.ge [sflag:s4], $0x0  }
0x19: {  	s7 =	sld [smem:$0x3F9A]  }
0x1a: {  	s8 =	sadd.s32 $0xFFFFE003, lr  }
0x1b: {  	s9 =	sadd.s32 $0xFFFFFEF7, lr;
	s5 =	simm.s32 $0xFFFFFFFF;
	p2 =	slt.u32 s8, $0xFFFFF086  }
0x1c: {  	p1 =	slt.u32 s9, $0xF7A;
	s5 =	simm.s32 @!p2 $0x0  }
0x1d: {  	s5 =	simm.s32 @p1 $0x1;
	p0 =	seq.s32 s7, s2  }
0x1e: {  	s7 =	smul.u32 @!p0 $0xF7A, s2;
	p2 =	seq.s32 @!p0 s5, $0x0  }
0x1f: {  	s9 =	smul.u32 $0xF7A, s1;
	s8 =	simm.s32 @!p0 $0x1BF5;
	p2 =	por !p2, p0  }
0x20: {  	[sflag:s8] =	ssyncset.s32 @!p0 $0xFFFFF086;
	s6 =	sadd.s32 @!p0 s3, s7;
	s7 =	simm.s32 @!p0 $0x108  }
0x21: {  	s3 =	sadd.s32 s3, s9;
	s6 =	sadd.s32 @!p0 $0x88, s6;
	s7 =	simm.s32 @p2 $0x1082  }
0x22: {  	[simem:s7], [sflag:s8] =	dma.local @!p0 [hbm:s6], $0xF7A  }
0x23: {  	s9 =	sor.u32 $0xD0000000, s2;
	s6 =	simm.s32 $0x108;
	_ =	swait.ge @!p0 [sflag:s8], $0x0  }
0x24: {  	s3 =	sadd.s32 $0x88, s3;
	s6 =	simm.s32 @!p1 $0x1082;
	[sflag:s4] =	ssyncset.s32 $0xFFFFF086  }
0x25: {  	[simem:s6], [sflag:s4] =	dma.local [hbm:s3], $0xF7A  }
0x26: {  	[smem:$0x3F9A] =	sst s1;
	(tag) =	ssettag s2;
	_ =	strace s9  }
0x27: {  	s1 =	sld [smem:$0x3FAA]  }
0x28: {  	s2 =	sld [smem:$0x3FAB]  }
0x29: {  	s4 =	sld [smem:$0x3FAD]  }
0x2a: {  	p0 =	seq.s32 s5, $0x0;
	s5 =	sld [smem:$0x3FAE]  }
0x2b: {  	s6 =	sld [smem:$0x3FAF]  }
0x2c: {  	s7 =	sld [smem:$0x3FB0]  }
0x2d: {  	s3 =	simm.s32 $0x108;
	s8 =	sld [smem:$0x3FB1]  }
0x2e: {  	s3 =	simm.s32 @!p0 $0x1082;
	s9 =	sld [smem:$0x3FB2]  }
0x2f: {  	lr =	sadd.s32 s0, s3;
	s0 =	sld [smem:$0x3FA9]  }
0x30: {  	s3 =	sld [smem:$0x3FAC]  }
0x31: {  	[smem:$0x3FB5] =	sst s10  }
0x32: {  	s10 =	sld [smem:$0x3FB3];
	_ =	sdelay $0x3  }
0x33: {  	p0 =	seq.s32 s10, $0x1;
	s10 =	sld [smem:$0x3FB5];
	_ =	sdelay $0x3  }
0x34: {  	[smem:$0x3FB5] =	sst s10  }
0x35: {  	s10 =	sld [smem:$0x3FB4];
	_ =	sdelay $0x3  }
0x36: {  	p1 =	seq.s32 s10, $0x1;
	s10 =	sld [smem:$0x3FB5];
	_ =	sdelay $0x3  }
0x37: {  	[smem:$0x3FB5] =	sst s10  }
0x38: {  	s10 =	sld [smem:$0x3FB6]  }
0x39: {  	_ = 	snop;
	(pc) =	sbr.ind lr, $3  }
0x3a: {  	_ = 	snop  }
0x3b: {  	_ = 	snop  }
0x3c: {  	p2 =	seq.s32 s10, $0x1;
	s10 =	sld [smem:$0x3FB5]  }
0x3d: {  	_ =	shalt  }
0x3e: {  	_ =	shalt  }
0x3f: {  	_ =	shalt  }
0x40: {  	_ =	shalt  }
0x41: {  	_ =	shalt  }
0x42: {  	_ =	shalt  }
0x43: {  	_ =	shalt  }
0x44: {  	_ =	shalt  }
0x45: {  	_ =	shalt  }
0x46: {  	_ =	shalt  }
0x47: {  	_ =	shalt  }
0x48: {  	_ =	shalt  }
0x49: {  	_ =	shalt  }
0x4a: {  	_ =	shalt  }
0x4b: {  	_ =	shalt  }
0x4c: {  	_ =	shalt  }
0x4d: {  	_ =	shalt  }
0x4e: {  	_ =	shalt  }
0x4f: {  	_ =	shalt  }
0x50: {  	_ =	shalt  }
0x51: {  	_ =	shalt  }
0x52: {  	_ =	shalt  }
0x53: {  	_ =	shalt  }
0x54: {  	_ =	shalt  }
0x55: {  	_ =	shalt  }
0x56: {  	_ =	shalt  }
0x57: {  	_ =	shalt  }
0x58: {  	_ =	shalt  }
0x59: {  	_ =	shalt  }
0x5a: {  	_ =	shalt  }
0x5b: {  	_ =	shalt  }
0x5c: {  	_ =	shalt  }
0x5d: {  	_ =	shalt  }
0x5e: {  	_ =	shalt  }
0x5f: {  	_ =	shalt  }
0x60: {  	_ =	shalt  }
0x61: {  	_ =	shalt  }
0x62: {  	_ =	shalt  }
0x63: {  	_ =	shalt  }
0x64: {  	_ =	shalt  }
0x65: {  	_ =	shalt  }
0x66: {  	_ =	shalt  }
0x67: {  	_ =	shalt  }
0x68: {  	_ =	shalt  }
0x69: {  	_ =	shalt  }
0x6a: {  	_ =	shalt  }
0x6b: {  	_ =	shalt  }
0x6c: {  	_ =	shalt  }
0x6d: {  	_ =	shalt  }
0x6e: {  	_ =	shalt  }
0x6f: {  	_ =	shalt  }
0x70: {  	_ =	shalt  }
0x71: {  	_ =	shalt  }
0x72: {  	_ =	shalt  }
0x73: {  	_ =	shalt  }
0x74: {  	_ =	shalt  }
0x75: {  	_ =	shalt  }
0x76: {  	_ =	shalt  }
0x77: {  	_ =	shalt  }
0x78: {  	_ =	shalt  }
0x79: {  	_ =	shalt  }
0x7a: {  	_ =	shalt  }
0x7b: {  	_ =	shalt  }
0x7c: {  	_ =	shalt  }
0x7d: {  	_ =	shalt  }
0x7e: {  	_ =	shalt  }
0x7f: {  	_ =	shalt  }
0x80: {  	_ =	shalt  }
0x81: {  	_ =	shalt  }
0x82: {  	_ =	shalt  }
0x83: {  	_ =	shalt  }
0x84: {  	_ =	shalt  }
0x85: {  	_ =	shalt  }
0x86: {  	_ =	shalt  }
0x87: {  	_ =	shalt  }
.Lfunc_end0:
.L_simem_size_0:
called_computation.1_lowered:
.L_overlay_start_0:
0x88: {  	s2 =	sld [smem:$0x3FD9]  }
0x89: {  	s3 =	sld [smem:$0x3FFE];
	_ =	sdelay $0x1  }
0x8a: {  	s1 =	srdreg.scid  }
0x8b: {  	s0 =	sand.u32 $0x1, s1  }
0x8c: {  	s17 =	sshll.u32 s0, $0xA;
	s2 =	sadd.s32 s3, s2  }
0x8d: {  	s2 =	sadd.s32 s2, s17  }
0x8e: {  	[smem:$0x3FC1] =	sst s2  }
0x8f: {  	_ = 	snop  }
0x90: {  	s2 =	sld [smem:$0x3FD0];
	(tm) =	ssettm $0x1  }
0x91: {  	s18 =	sld [smem:$0x3FFB];
	_ =	sdelay $0x3  }
0x92: {  	_ =	strace s18  }
0x93: {  	s3 =	sld [smem:$0x3FFC];
	_ =	sdelay $0x3  }
0x94: {  	_ =	strace s3  }
0x95: {  	s3 =	sld [smem:$0x3FFD];
	_ =	sdelay $0x3  }
0x96: {  	_ =	strace s3  }
0x97: {  	_ =	strace $0x8FFFFFFF  }
0x98: {  	s19 =	sld [smem:$0x3FDB];
	_ =	sdelay $0x1  }
0x99: {  	s4 =	simm.s32 $_scs_section_size  }
0x9a: {  	s5 =	simm.s32 $_size__tile_overlayer_lowered;
	s6 =	simm.s32 $_tile_overlayer_lowered  }
0x9b: {  	s22 =	simm.s32 $0x1BFF;
	s21 =	sshll.u32 s6, $0x1;
	s3 =	sadd.s32 s4, s19  }
0x9c: {  	s7 =	simm.s32 $0x0;
	s20 =	sshll.u32 s5, $0x1;
	s5 =	sadd.s32 s21, s3  }
0x9d: {  	[timem:s7], [sflag:s22] =	dma.local [hbm:s5], s20  }
0x9e: {  	_ =	swait.ge [sflag:s22], s20  }
0x9f: {  	s4 =	ssub.s32 $0x0, s20;
	[sflag:s22] =	ssyncset.done $0x0  }
0xa0: {  	[sflag:s22] =	ssyncadd.s32 s4;
	_ =	sdelay $0x1  }
0xa1: {  	s23 =	simm.s32 $0x1B8B  }
0xa2: {  	_ =	swait.ge [sflag:s23], $0x1  }
0xa3: {  	[sflag:s23] =	ssyncset.done $0x0  }
0xa4: {  	s25 =	simm.s32 $0x1B8E;
	s24 =	sld [smem:$0x3FFE];
	[sflag:s23] =	ssyncadd.s32 $0xFFFFFFFF  }
0xa5: {  	s26 =	simm.s32 $execute0_lowered;
	[smem:$0x3FD2] =	sst s25  }
0xa6: {  	s5 =	sshll.u32 s26, $0x1;
	_ =	strace $0x80000049;
	[dreg:$0x1] =	wrdreg $0xFFFFFFFF  }
0xa7: {  	s28 =	simm.s32 $_size_execute0_lowered;
	s3 =	sadd.s32 s3, s5;
	[dreg:$0x0] =	wrdreg $0x0  }
0xa8: {  	s5 =	sshll.u32 s28, $0x1;
	[dreg:$0x2] =	wrdreg s3  }
0xa9: {  	[dreg:$0x3] =	wrdreg s5  }
0xaa: {  	[dreg:$0x4] =	wrdreg $0xC0  }
0xab: {  	_ =	task [dreg:s7], $0x5FFFF  }
0xac: {  	[dreg:$0x1] =	wrdreg $0xFFFFFFFF  }
0xad: {  	[dreg:$0x0] =	wrdreg $0x60  }
0xae: {  	[dreg:$0x2] =	wrdreg s2  }
0xaf: {  	[dreg:$0x3] =	wrdreg s24  }
0xb0: {  	[dreg:$0x4] =	wrdreg $0xA0000  }
0xb1: {  	[dreg:$0x5] =	wrdreg $0x9  }
0xb2: {  	_ =	task.clear_ibuf [dreg:s7], $0x6FFFF;
	_ =	strace $0x90000049  }
0xb3: {  	s29 =	simm.s32 $0x9;
	_ =	strace $0x8000004B  }
0xb4: {  	_ =	swait.ge [sflag:s29], $0x1  }
0xb5: {  	[sflag:s29] =	ssyncadd.s32 $0xFFFFFFFF  }
0xb6: {  	_ =	strace $0x9000004B  }
0xb7: {  	_ =	sfence  }
0xb8: {  	s30 =	sld [smem:$0x0];
	_ =	sdelay $0x2  }
0xb9: {  	s31 =	sshll.u32 s1, $0xD;
	s1 =	sshrl.u32 s1, $0x2  }
0xba: {  	s3 =	sand.u32 $0x4000, s31;
	s1 =	sadd.s32 s1, s30  }
0xbb: {  	s0 =	sor.u32 s3, s0;
	s1 =	sshll.u32 s1, $0x11  }
0xbc: {  	s0 =	sor.u32 s1, s0  }
0xbd: {  	s0 =	sadd.s32 $0x8F2B, s0  }
0xbe: {  	[sflag:s0] =	ssyncadd.remote.s32 $0x1  }
0xbf: {  	_ =	sfence.sel $0xFFFF  }
0xc0: {  	[dreg:$0x0] =	wrdreg $0xFFFFFFFF;
	(pc) =	sbr.abs _section_cstart, $3  }
0xc1: {  	[dreg:$0x1] =	wrdreg $0xFFFFFFFF  }
0xc2: {  	_ =	task.clear_ibuf [dreg:s7], $0x2FFFF;
	_ =	strace $0x9FFFFFFF  }
0xc3: {  	(tm) =	ssettm $0x7FFFFFFF  }
tec
execute0_lowered:
.L_overlay_start_1:
0x0: {  	(tag) =	ssettag $0x1  }
0x1: {  	s1 =	rddreg [dreg:$0x0]  }
0x2: {  	s8 =	rddreg [dreg:$0x1]  }
0x3: {  	s2 =	rddreg [dreg:$0x2];
	s4 =	simm.s32 $0x0  }
0x4: {  	s3 =	srdreg.scid;
	s0 =	stileid.u32;
	s20 =	simm.s32 $0x280  }
0x5: {  	s21 =	simm.s32 $0x1;
	s22 =	simm.s32 $0x64;
	s23 =	simm.s32 $0x400  }
0x6: {  	s28 =	simm.s32 $0x0;
	[smem:$0x7FF] =	sst s4;
	s10 =	smul.u32 $0x14000, s0  }
0x7: {  	s7 =	sand.u32 $0x1, s3;
	s5 =	sadd.s32 $0x2200, s8;
	s25 =	smul.u32 $0x50000, s0  }
0x8: {  	s6 =	sadd.s32 $0x1C200, s8;
	s9 =	smul.u32 $0x140000, s7;
	s11 =	sshll.u32 s7, $0x4  }
0x9: {  	_ =	strace $0x8000004A;
	s12 =	ssub.s32 $0x2, s7;
	s24 =	sor.u32 s0, s11  }
0xa: {  	s26 =	sshrl.u32 s12, $0x1;
	s29 =	sshrl.u32 s25, $0x2;
	s25 =	simm.s32 $0xC  }
0xb: {  	s9 =	sadd.s32 s10, s9;
	s7 =	smul.u32 $0x3400, s24;
	s16 =	ssub.s32 s12, s26  }
0xc: {  	s17 =	sadd.s32 s29, s2;
	s24 =	simm.s32 $0xE;
	s26 =	simm.s32 $0xF  }
.Ltmp0:
0xd: {  	s9 =	sshrl.u32 s9, $0x3;
	s16 =	smax.u32 s16, $0x1;
	(pc) =	sbr.rel .LBB2_1-.Ltmp0, $4  }
0xe: {  	s17 =	sshrl.u32 s17, $0x3;
	s15 =	sadd.s32 s9, s8;
	s8 =	sadd.s32 $0x68000, s7  }
0xf: {  	s9 =	sshll.u32 s0, $0x6;
	s30 =	sshrl.u32 s7, $0x3;
	s31 =	sshrl.u32 s8, $0x3  }
0x10: {  	s10 =	sor.u32 $0x1C0E, s9;
	s11 =	sadd.s32 s5, s30;
	s15 =	sadd.s32 $0x1EA00, s15  }
0x11: {  	s12 =	sadd.s32 s5, s31;
	s13 =	sadd.s32 $0x10, s11;
	s14 =	sadd.s32 $0xD010, s11  }
.LBB2_8:
0x12: {  	_ =	swait.ge [sflag:s24], $0x3200  }
0x13: {  	[sflag:s24] =	ssyncset.done $0x0  }
0x14: {  	[sflag:s24] =	ssyncadd.s32 $0xFFFFCE00  }
0x15: {  	_ =	swait.ge [sflag:s25], $0x3200  }
0x16: {  	s28 =	sadd.s32 $0x1, s28;
	[sflag:s25] =	ssyncset.done $0x0  }
0x17: {  	p0 =	sne.s32 s28, s16;
	[sflag:s25] =	ssyncadd.s32 $0xFFFFCE00  }
.Ltmp1:
0x18: {  	s0 =	sor.u32 $0x1C0F, s9;
	[bflag:$0x0] =	sbarrier.arrive $0xFFFF;
	(pc) =	sbr.rel @!p0 .LBB2_9-.Ltmp1, $4  }
0x19: {  	[hbm:s15], [sflag:s0] =	dma.local [spmem:s17], $0x2800  }
0x1a: {  	_ =	swait.ge [sflag:s26], $0x2800  }
0x1b: {  	[sflag:s26] =	ssyncset.done $0x0  }
0x1c: {  	[sflag:s26] =	ssyncadd.s32 $0xFFFFD800  }
.LBB2_1:
0x1d: {  	[spmem:s17], [sflag:s10] =	dma.local [hbm:s6], $0x2800  }
0x1e: {  	[tilespmem:s4], [sflag:$0x1] =	stream.linear.gather [hbm4b:s11+s4], $0x80, $0x38;
	[tilespmem:$0x1E000] =	vst v63  }
0x1f: {  	s0 =	simm.s32 $0x200  }
0x20: {  	[tilespmem:s0], [sflag:$0x5] =	stream.linear.gather [hbm4b:s12+s4], $0x80, $0x38;
	[tilespmem:$0x1E000] =	vst v63  }
0x21: {  	s31 =	simm.s32 $0x80  }
0x22: {  	[tilespmem:s31], [sflag:$0x2] =	stream.linear.gather [hbm4b:s13+s4], $0x80, $0x38;
	[tilespmem:$0x1E000] =	vst v63  }
0x23: {  	_ = 	snop  }
0x24: {  	[tilespmem:s20], [sflag:$0x6] =	stream.linear.gather [hbm4b:s14+s4], $0x80, $0x38;
	[tilespmem:$0x1E000] =	vst v63  }
0x25: {  	_ =	swait.ge [sflag:s21], $0x80  }
0x26: {  	[sflag:s21] =	ssyncset.done $0x0  }
0x27: {  	[sflag:s21] =	ssyncadd.s32 $0xFFFFFF80  }
0x28: {  	[tilespmem:s23], [sflag:$0x9] =	stream.indirect.gather [hbm4b:s1+s22], $0x80, s4, s22, $0xb8;
	[tilespmem:$0x1E000] =	vst v63  }
.Ltmp2:
0x29: {  	_ =	swait.ge [sflag:s24], $0x2800;
	(pc) =	sbr.rel .LBB2_2-.Ltmp2, $4  }
0x2a: {  	[sflag:s24] =	ssyncset.done $0x0  }
0x2b: {  	[sflag:s24] =	ssyncadd.s32 $0xFFFFD800  }
0x2c: {  	[bflag:$0x0] =	sbarrier.arrive $0xFFFF  }
0x2d: {  	s29 =	simm.s32 $0x0  }
.LBB2_6:
0x2e: {  	s31 =	simm.s32 $0x64;
	s30 =	simm.s32 $0x0  }
.LBB2_7:
0x2f: {  	s0 =	sadd.s32 $0x9, s30  }
0x30: {  	s3 =	sand.u32 $0x3, s29;
	_ =	swait.ge [sflag:s0], $0x3200  }
0x31: {  	s18 =	smul.u32 $0xD000, s30;
	p0 =	slt.u32 s31, $0x64;
	[sflag:s0] =	ssyncset.done $0x0  }
.Ltmp3:
0x32: {  	s19 =	sadd.s32 $0x5, s3;
	[sflag:s0] =	ssyncadd.s32 $0xFFFFCE00;
	(pc) =	sbr.rel @!p0 .LBB2_8-.Ltmp3, $4  }
0x33: {  	s30 =	sadd.s32 $0xC, s30;
	s29 =	smov.u32 s31;
	_ =	swait.ge [sflag:s19], $0x80  }
0x34: {  	s3 =	sshll.u32 s3, $0x7;
	s18 =	sshrl.u32 s18, $0x2;
	[sflag:s19] =	ssyncset.done $0x0  }
0x35: {  	s3 =	sor.u32 $0x200, s3;
	s18 =	sadd.s32 $0x400, s18;
	[sflag:s19] =	ssyncadd.s32 $0xFFFFFF80  }
0x36: {  	[spmem:s2] =	stream.indirect.scatter.add.f32 [tilespmem:s18], [sflag:s30], $0x80, s3, s22, $0xb8;
	[tilespmem:$0x1E000] =	vst v63  }
.LBB2_2:
0x37: {  	p0 =	slt.u32 s29, $0x2  }
0x38: {  	s30 =	sadd.s32 @!p0 $0xFFFFFFFE, s29  }
0x39: {  	s31 =	sand.u32 @!p0 $0xFF, s30  }
0x3a: {  	s31 =	smul.u32 @!p0 $0xAB, s31;
	_ =	sdelay $0x1  }
0x3b: {  	s31 =	sshrl.u32 @!p0 s31, $0x9  }
0x3c: {  	s31 =	smul.u32 @!p0 $0x3, s31  }
0x3d: {  	p1 =	sgt.u32 @!p0 s29, $0x61  }
0x3e: {  	p1 =	por p0, !p1;
	s30 =	ssub.s32 @!p0 s30, s31  }
.Ltmp4:
0x3f: {  	s30 =	sor.u32 @!p0 $0xC, s30;
	(pc) =	sbr.rel @!p1 .LBB2_5-.Ltmp4, $4  }
0x40: {  	s30 =	sand.u32 @!p0 $0xFF, s30  }
0x41: {  	_ =	swait.ge @!p0 [sflag:s30], $0x3200  }
0x42: {  	[sflag:s30] =	ssyncset.done @!p0 $0x0  }
0x43: {  	[sflag:s30] =	ssyncadd.s32 @!p0 $0xFFFFCE00  }
0x44: {  	s30 =	sadd.s32 $0x2, s29  }
0x45: {  	s31 =	sshll.u32 s30, $0x7  }
0x46: {  	s0 =	sand.u32 $0x7C00, s31  }
0x47: {  	s31 =	sand.u32 $0x380, s31;
	s3 =	sadd.s32 s7, s0  }
0x48: {  	s3 =	sor.u32 s31, s3  }
0x49: {  	s30 =	sand.u32 $0x3, s30;
	s3 =	sshrl.u32 s3, $0x3  }
0x4a: {  	s18 =	sshll.u32 s30, $0x7;
	s19 =	sadd.s32 $0x1, s30;
	s3 =	sadd.s32 s5, s3  }
0x4b: {  	[tilespmem:s18], [sflag:s19] =	stream.linear.gather [hbm4b:s3+s4], $0x80, $0x38;
	[tilespmem:$0x1E000] =	vst v63  }
0x4c: {  	s19 =	smul.u32 $0xAB, s29  }
0x4d: {  	s0 =	sadd.s32 s8, s0  }
0x4e: {  	s0 =	sor.u32 s31, s0;
	s31 =	sadd.s32 $0x5, s30;
	s3 =	sshrl.u32 s19, $0x9  }
.Ltmp5:
0x4f: {  	s0 =	sshrl.u32 s0, $0x3;
	s3 =	sand.u32 $0x7F, s3;
	(pc) =	sbr.rel .LBB2_4-.Ltmp5, $4  }
0x50: {  	s0 =	sadd.s32 s5, s0;
	s18 =	sor.u32 $0x200, s18;
	s3 =	smul.u32 $0x3, s3  }
0x51: {  	[tilespmem:s18], [sflag:s31] =	stream.linear.gather [hbm4b:s0+s4], $0x80, $0x38;
	[tilespmem:$0x1E000] =	vst v63  }
0x52: {  	s31 =	ssub.s32 s29, s3  }
0x53: {  	s30 =	sand.u32 $0xFF, s31  }
.LBB2_5:
0x54: {  	p0 =	seq.s32 s29, $0x63  }
.Ltmp6:
0x55: {  	_ = 	snop;
	(pc) =	sbr.rel @p0 .LBB2_6-.Ltmp6, $2  }
0x56: {  	_ =	sdelay $0x2  }
0x57: {  	s30 =	simm.s32 $0x2  }
.LBB2_4:
0x58: {  	s31 =	sadd.s32 $0x1, s29  }
0x59: {  	s0 =	smul.u32 $0xAB, s31;
	_ =	sdelay $0x1  }
0x5a: {  	s0 =	sshrl.u32 s0, $0x9  }
0x5b: {  	s0 =	sand.u32 $0x7F, s0  }
0x5c: {  	s0 =	smul.u32 $0x3, s0;
	_ =	sdelay $0x1  }
0x5d: {  	s0 =	ssub.s32 s31, s0  }
0x5e: {  	s0 =	sand.u32 $0xFF, s0  }
0x5f: {  	s3 =	sand.u32 $0x3, s31;
	s19 =	smul.u32 $0xD000, s0  }
.Ltmp7:
0x60: {  	s18 =	sadd.s32 $0x1, s3;
	(pc) =	sbr.rel .LBB2_7-.Ltmp7, $4  }
0x61: {  	_ =	swait.ge [sflag:s18], $0x80  }
0x62: {  	s3 =	sshll.u32 s3, $0x7;
	[sflag:s18] =	ssyncset.done $0x0;
	s19 =	sshrl.u32 s19, $0x2  }
0x63: {  	[sflag:s18] =	ssyncadd.s32 $0xFFFFFF80;
	s0 =	sadd.s32 $0x9, s0;
	s18 =	sadd.s32 $0x400, s19  }
0x64: {  	[tilespmem:s18], [sflag:s0] =	stream.indirect.gather [hbm4b:s1+s22], $0x80, s3, s22, $0xb8;
	[tilespmem:$0x1E000] =	vst v63  }
.LBB2_9:
0x65: {  	_ =	sfence.sel $0x180000  }
0x66: {  	[bflag:$0x0] =	sbarrier.arrive $0xFFFF  }
0x67: {  	_ =	strace $0x9000004A  }
0x68: {  	s0 =	stileid.u32;
	[bflag:$0x2] =	sbarrier.arrive $0xFFFF  }
0x69: {  	p0 =	sne.s32 s0, $0x0;
	s0 =	rddreg [dreg:$0x3]  }
0x6a: {  	s0 =	sadd.s32 @!p0 $0x100000, s0  }
0x6b: {  	[sflag:s0] =	ssyncadd.tile.s32 @!p0 $0x1;
	_ =	shalt  }
.Lfunc_end2:
_tile_overlayer_lowered:
.L_overlay_start_2:
0x6c: {  	(tag) =	ssettag $0x2  }
0x6d: {  	s0 =	rddreg [dreg:$0x0];
	s2 =	stileid.u32  }
0x6e: {  	s1 =	rddreg [dreg:$0x1];
	p0 =	sne.s32 s2, $0x0  }
0x6f: {  	s3 =	rddreg [dreg:$0x2];
	[bflag:$0x3] =	sbarrier.arrive $0xFFFF;
	s2 =	simm.s32 @!p0 $0x1C0F  }
0x70: {  	[timem:s3], [sflag:s2] =	dma.local @!p0 [hbm:s0], s1  }
0x71: {  	s0 =	simm.s32 @!p0 $0xF  }
0x72: {  	_ =	swait.ge @!p0 [sflag:s0], s1  }
0x73: {  	s1 =	ssub.s32 @!p0 $0x0, s1;
	[sflag:s0] =	ssyncset.done @!p0 $0x0  }
0x74: {  	[sflag:s0] =	ssyncadd.s32 @!p0 s1  }
0x75: {  	[bflag:$0x3] =	sbarrier.arrive $0xFFFF  }
0x76: {  	_ =	shalt  }

</sc_bundles>
